<compile_context>
chip_gen: v7x
topology: tpu7x:2x2x1
jax: 0.10.2.dev20260603
libtpu: 0.0.44.dev20260713+nightly
codegen_flags: <defaults>
</compile_context>

<pallas_src>
import functools

import jax
import jax.numpy as jnp
from jax import lax
from jax.experimental import pallas as pl
from jax.experimental.pallas import tpu as pltpu
from jax.experimental.pallas import tpu_sc as plsc

NUM_FIELDS = 26
VOCAB = 100000
EMB_DIM = 16
BATCH = 4096
TEMP = 0.5
BN_EPS = 1e-3
MLP_IN = NUM_FIELDS * EMB_DIM

NC = 2
NS = 16
NW = NC * NS
B_PER_W = BATCH // NW
ELEMS_PER_W = B_PER_W * NUM_FIELDS
CHUNK = 128
NCHUNK = ELEMS_PER_W // CHUNK
VECS = ELEMS_PER_W // 16


ECH = 8
ENCH = ELEMS_PER_W // ECH
NBUF = 4
VROWS = VOCAB // 16
BROWS = VOCAB // 16


def _sc_gather(idx_hbm, emb_hbm, bias_hbm, x_out, b_out,
               raw_v, eidx_v, bidx_v, ebuf, bbuf, x_v, bacc_v, esem, bsem):
    wid = lax.axis_index("s") * NC + lax.axis_index("c")

    pltpu.sync_copy(idx_hbm.at[:, pl.ds(wid * B_PER_W, B_PER_W)],
                    raw_v.at[pl.ds(0, NUM_FIELDS)])

    def bidx_body(j, _):
        r = j // (B_PER_W // 16)
        u = j % (B_PER_W // 16)
        g = raw_v[r, pl.ds(u * 16, 16)]
        bidx_v[r, pl.ds(u * 16, 16)] = lax.shift_right_logical(g, 4)
        return 0

    lax.fori_loop(0, VECS, bidx_body, 0)

    def fire_bias(c, _):
        pltpu.make_async_copy(bias_hbm.at[c].at[bidx_v.at[c]], bbuf.at[c],
                              bsem).start()
        return 0

    lax.fori_loop(0, NUM_FIELDS, fire_bias, 0)

    iota16 = lax.iota(jnp.int32, 16)
    pat = iota16 * VROWS

    def fire_emb(h):
        slot = lax.rem(h, NBUF)
        f = h // (B_PER_W // ECH)
        bl0 = (h % (B_PER_W // ECH)) * ECH
        g16 = raw_v[f, pl.ds(bl0, 16)]
        run0 = f * (EMB_DIM * VROWS) + lax.shift_right_logical(g16, 4)
        for i in range(ECH):
            eidx_v[slot, pl.ds(i * 16, 16)] = run0[i] + pat
        pltpu.make_async_copy(emb_hbm.at[eidx_v.at[slot]], ebuf.at[slot],
                              esem).start()

    for h0 in range(NBUF):
        fire_emb(h0)

    def chunk_body(h, _):
        slot = lax.rem(h, NBUF)
        f = h // (B_PER_W // ECH)
        bl0 = (h % (B_PER_W // ECH)) * ECH
        pltpu.make_async_copy(emb_hbm.at[eidx_v.at[slot]], ebuf.at[slot],
                              esem).wait()
        lanes = jnp.bitwise_and(raw_v[f, pl.ds(bl0, 16)], 15)
        for i in range(ECH):
            vals = plsc.load_gather(
                ebuf, [jnp.full((16,), slot, jnp.int32), i * 16 + iota16,
                       jnp.full((16,), lanes[i], jnp.int32)])
            p = f * B_PER_W + bl0 + i
            x_v[p // 8, pl.ds((p % 8) * 16, 16)] = vals

        @pl.when(h + NBUF < ENCH)
        def _():
            fire_emb(h + NBUF)

        return 0

    lax.fori_loop(0, ENCH, chunk_body, 0)

    def bias_ext(c, _):
        pltpu.make_async_copy(bias_hbm.at[c].at[bidx_v.at[c]], bbuf.at[c],
                              bsem).wait()
        return 0

    lax.fori_loop(0, NUM_FIELDS, bias_ext, 0)

    def bias_ext2(j, _):
        r = j // (B_PER_W // 16)
        u = j % (B_PER_W // 16)
        e0 = u * 16
        ee = e0 + iota16
        lane = jnp.bitwise_and(raw_v[r, pl.ds(e0, 16)], 15)
        vals = plsc.load_gather(bbuf, [jnp.full((16,), r, jnp.int32), ee,
                                       lane])
        bacc_v[r, pl.ds(e0, 16)] = vals
        return 0

    lax.fori_loop(0, VECS, bias_ext2, 0)

    pltpu.sync_copy(x_v, x_out.at[wid])
    pltpu.sync_copy(bacc_v, b_out.at[wid])


@functools.cache
def _sc_gather_call():
    return functools.partial(
        pl.kernel,
        mesh=plsc.VectorSubcoreMesh(core_axis_name="c", subcore_axis_name="s"),
        compiler_params=pltpu.CompilerParams(
            use_tc_tiling_on_sc=False, needs_layout_passes=False),
        out_type=[
            jax.ShapeDtypeStruct((NW, ELEMS_PER_W * EMB_DIM // 128, 128),
                                 jnp.float32),
            jax.ShapeDtypeStruct((NW, NUM_FIELDS, B_PER_W), jnp.float32),
        ],
        scratch_types=[
            pltpu.VMEM((NUM_FIELDS + 1, B_PER_W), jnp.int32),
            pltpu.VMEM((NBUF, ECH * EMB_DIM), jnp.int32),
            pltpu.VMEM((NUM_FIELDS, B_PER_W), jnp.int32),
            pltpu.VMEM((NBUF, ECH * EMB_DIM, EMB_DIM), jnp.float32),
            pltpu.VMEM((NUM_FIELDS, B_PER_W, EMB_DIM), jnp.float32),
            pltpu.VMEM((ELEMS_PER_W * EMB_DIM // 128, 128), jnp.float32),
            pltpu.VMEM((NUM_FIELDS, B_PER_W), jnp.float32),
            pltpu.SemaphoreType.DMA,
            pltpu.SemaphoreType.DMA,
        ],
    )(_sc_gather)


_NB = 4
_BB = BATCH // _NB


def _tc_body(x_ref, bg_ref, nas_ref, w1_ref, b1_ref, w2_ref, b2_ref,
             w3_ref, b3_ref, out_ref, sum_s, sq_s):
    ph = pl.program_id(0)
    j = pl.program_id(1)

    @pl.when((ph == 0) & (j == 0))
    def _():
        sum_s[...] = jnp.zeros_like(sum_s)
        sq_s[...] = jnp.zeros_like(sq_s)

    @pl.when(ph == 0)
    def _():
        xb = x_ref[...]
        sum_s[...] += jnp.sum(xb, axis=0, keepdims=True)
        sq_s[...] += jnp.sum(xb * xb, axis=0, keepdims=True)
        out_ref[...] = jnp.zeros_like(out_ref)

    @pl.when(ph == 1)
    def _():
        inv_n = 1.0 / BATCH
        mean = sum_s[...] * inv_n
        var = sq_s[...] * inv_n - mean * mean
        z = nas_ref[...] / TEMP
        e = jnp.exp(z - jnp.max(z))
        p = e / jnp.sum(e)
        fcol = lax.broadcasted_iota(jnp.int32, (NUM_FIELDS, MLP_IN), 1) // EMB_DIM
        frow = lax.broadcasted_iota(jnp.int32, (NUM_FIELDS, MLP_IN), 0)
        onehot = (fcol == frow).astype(jnp.float32)
        prob_row = jnp.sum(onehot * p, axis=0, keepdims=True)
        cs = prob_row * lax.rsqrt(var + BN_EPS)
        xn = (x_ref[...] - mean) * cs
        h = jnp.dot(xn, w1_ref[...], precision=lax.Precision.HIGHEST)
        h = jnp.maximum(h + b1_ref[...], 0.0)
        h = jnp.dot(h, w2_ref[...], precision=lax.Precision.HIGHEST)
        h = jnp.maximum(h + b2_ref[...], 0.0)
        o = jnp.dot(h, w3_ref[...], precision=lax.Precision.HIGHEST) + b3_ref[...]
        bs = jnp.sum(bg_ref[...], axis=1, keepdims=True)
        logit = o + bs
        out_ref[...] = 1.0 / (1.0 + jnp.exp(-logit))


def _tc_call(x, bg, nas, w1, b1, w2, b2, w3, b3):
    return pl.pallas_call(
        _tc_body,
        grid=(2, _NB),
        in_specs=[
            pl.BlockSpec((_BB, MLP_IN), lambda p, j: (j, 0)),
            pl.BlockSpec((_BB, NUM_FIELDS), lambda p, j: (j, 0)),
            pl.BlockSpec((NUM_FIELDS, 1), lambda p, j: (0, 0)),
            pl.BlockSpec((MLP_IN, 512), lambda p, j: (0, 0)),
            pl.BlockSpec((1, 512), lambda p, j: (0, 0)),
            pl.BlockSpec((512, 256), lambda p, j: (0, 0)),
            pl.BlockSpec((1, 256), lambda p, j: (0, 0)),
            pl.BlockSpec((256, 1), lambda p, j: (0, 0)),
            pl.BlockSpec((1, 1), lambda p, j: (0, 0)),
        ],
        out_specs=pl.BlockSpec((_BB, 1), lambda p, j: (j, 0)),
        out_shape=jax.ShapeDtypeStruct((BATCH, 1), jnp.float32),
        scratch_shapes=[
            pltpu.VMEM((1, MLP_IN), jnp.float32),
            pltpu.VMEM((1, MLP_IN), jnp.float32),
        ],
    )(x, bg, nas, w1, b1, w2, b2, w3, b3)


def kernel(indices, emb_tables, bias_tables, nas_logits, W1, b1, W2, b2, W3, b3):
    idx_t = indices.T
    emb_rt = emb_tables.transpose(0, 2, 1).reshape(
        NUM_FIELDS * EMB_DIM * VROWS, EMB_DIM)
    bias_rt = bias_tables.reshape(NUM_FIELDS, BROWS, EMB_DIM)

    x_g, b_g = _sc_gather_call()(idx_t, emb_rt, bias_rt)
    x = (x_g.reshape(NW, NUM_FIELDS, B_PER_W, EMB_DIM)
         .transpose(0, 2, 1, 3).reshape(BATCH, MLP_IN))
    bg = b_g.transpose(0, 2, 1).reshape(BATCH, NUM_FIELDS)

    out = _tc_call(x, bg, nas_logits, W1, b1.reshape(1, 512),
                   W2, b2.reshape(1, 256), W3, b3.reshape(1, 1))
    return out.reshape(BATCH)

# --- scband reference (transcript-rebuilt; emitter-appended) ---
"""Pipeline reference for scband-adafs-pretrain-26972394618890 (READ-ONLY COPY).

The authoritative reference and input builder live on the scoring server;
editing this copy changes nothing except your own understanding.
"""

import jax, jax.numpy as jnp
import numpy as np

NUM_FIELDS = 26
VOCAB = 100000
EMB_DIM = 16
BATCH = 4096
TEMP = 0.5
BN_EPS = 1e-3
MLP_IN = NUM_FIELDS * EMB_DIM


def _glorot(key, shape):
    fan_in, fan_out = shape[0], shape[1]
    limit = np.sqrt(6.0 / (fan_in + fan_out)).astype(np.float32)
    return jax.random.uniform(key, shape, jnp.float32, -limit, limit)


def setup_inputs(seed: int = 0) -> dict:
    key = jax.random.key(seed)
    ks = jax.random.split(key, 10)
    indices = jax.random.randint(ks[0], (BATCH, NUM_FIELDS), 0, VOCAB, dtype=jnp.int32)
    emb_tables = jax.random.normal(ks[1], (NUM_FIELDS, VOCAB, EMB_DIM), jnp.float32) * 0.01
    bias_tables = jax.random.normal(ks[2], (NUM_FIELDS, VOCAB, 1), jnp.float32) * 0.01
    nas_logits = jnp.zeros((NUM_FIELDS, 1), jnp.float32)
    W1 = _glorot(ks[3], (MLP_IN, 512)); b1 = jnp.zeros((512,), jnp.float32)
    W2 = _glorot(ks[4], (512, 256)); b2 = jnp.zeros((256,), jnp.float32)
    W3 = _glorot(ks[5], (256, 1)); b3 = jnp.zeros((1,), jnp.float32)
    return {"indices": indices, "emb_tables": emb_tables, "bias_tables": bias_tables,
            "nas_logits": nas_logits, "W1": W1, "b1": b1, "W2": W2, "b2": b2,
            "W3": W3, "b3": b3}


def _bn(x):
    # tf.layers.batch_normalization with scale=False, center=False, training=True:
    # normalize with batch statistics, no learned affine.
    mean = jnp.mean(x, axis=0, keepdims=True)
    var = jnp.var(x, axis=0, keepdims=True)
    return (x - mean) / jnp.sqrt(var + BN_EPS)


def reference(indices, emb_tables, bias_tables, nas_logits, W1, b1, W2, b2, W3, b3):
    # per-field embedding lookup (gather)
    embs = [jnp.take(emb_tables[i], indices[:, i], axis=0) for i in range(NUM_FIELDS)]
    # shared-parameter-free BN applied to each field embedding
    bn_embs = [_bn(v) for v in embs]
    embedding = jnp.stack(bn_embs, axis=1)  # [B, F, D]
    # AdaFS field-choice softmax gating
    choice_probs = jax.nn.softmax(nas_logits / TEMP, axis=0)  # [F, 1]
    output_embs = choice_probs[None, :, :] * embedding  # [B, F, D]
    flat = output_embs.reshape(output_embs.shape[0], -1)  # [B, F*D]
    # per-field bias (dim-1 embedding) lookup and sum
    biases = [jnp.take(bias_tables[i], indices[:, i], axis=0) for i in range(NUM_FIELDS)]
    bias_sum = biases[0]
    for b in biases[1:]:
        bias_sum = bias_sum + b  # [B, 1]
    # MLP: relu, relu, none
    h = jax.nn.relu(flat @ W1 + b1)
    h = jax.nn.relu(h @ W2 + b2)
    out = h @ W3 + b3  # [B, 1]
    logits = jnp.sum(out + bias_sum, axis=1)  # [B]
    return jax.nn.sigmoid(logits)

if __name__ == "__main__":
    import jax
    _d = setup_inputs()
    print(jax.jit(kernel)(*tuple(_d.values())))

</pallas_src>

<mosaic_0001>
#map = affine_map<(d0, d1) -> (0, 0)>
#map1 = affine_map<(d0, d1) -> (0, 0, 0)>
module attributes {stable_mosaic.version = 14 : i64} {
  func.func @_sc_gather(%arg0: i32, %arg1: i32, %arg2: memref<26x4096xi32, #tpu.memory_space<hbm>>, %arg3: memref<2600000x16xf32, #tpu.memory_space<hbm>>, %arg4: memref<26x6250x16xf32, #tpu.memory_space<hbm>>, %arg5: memref<32x416x128xf32, #tpu.memory_space<hbm>>, %arg6: memref<32x26x128xf32, #tpu.memory_space<hbm>>, %arg7: memref<27x128xi32, #tpu.memory_space<vmem>>, %arg8: memref<4x128xi32, #tpu.memory_space<vmem>>, %arg9: memref<26x128xi32, #tpu.memory_space<vmem>>, %arg10: memref<4x128x16xf32, #tpu.memory_space<vmem>>, %arg11: memref<26x128x16xf32, #tpu.memory_space<vmem>>, %arg12: memref<416x128xf32, #tpu.memory_space<vmem>>, %arg13: memref<26x128xf32, #tpu.memory_space<vmem>>, %arg14: memref<!tpu.dma_semaphore, #tpu.memory_space<semaphore_mem>>, %arg15: memref<!tpu.dma_semaphore, #tpu.memory_space<semaphore_mem>>) attributes {dimension_semantics = [#tpu.dimension_semantics<core_parallel>, #tpu.dimension_semantics<subcore_parallel>], iteration_bounds = array<i64: 2, 16>, scalar_prefetch = 0 : i64, scratch_operands = 9 : i64, tpu.core_type = #tpu.core_type<sc_vector_subcore>, window_params = [{transform_indices = #map}, {transform_indices = #map}, {transform_indices = #map1}, {transform_indices = #map1}, {transform_indices = #map1}]} {
    %mul3A = arith.constant 2 : i32
    %mul3A_0 = arith.muli %arg1, %mul3A : i32
    %add3A = arith.addi %mul3A_0, %arg0 : i32
    %mul3A_1 = arith.constant 128 : i32
    %mul3A_2 = arith.muli %add3A, %mul3A_1 : i32
    "tpu.region"() ({
      %run_scoped3A = tpu.sem_alloc : memref<!tpu.dma_semaphore, #tpu.memory_space<semaphore_mem>>
      %dma_start3A_349 = arith.constant 0 : i32
      %dma_start3A_350 = arith.constant 0 : i32
      %dma_start3A_351 = tpu.memref_slice %arg7[%dma_start3A_349, %dma_start3A_350] : memref<27x128xi32, #tpu.memory_space<vmem>> -> memref<26x128xi32, #tpu.memory_space<vmem>>
      %dma_start3A_352 = arith.constant 0 : i32
      %dma_start3A_353 = tpu.memref_slice %arg2[%dma_start3A_352, %mul3A_2] : memref<26x4096xi32, #tpu.memory_space<hbm>> -> memref<26x128xi32, #tpu.memory_space<hbm>>
      %dma_start3A_354 = arith.constant 0 : i32
      %dma_start3A_355 = arith.constant 0 : i32
      %dma_start3A_356 = tpu.memref_slice %arg7[%dma_start3A_354, %dma_start3A_355] : memref<27x128xi32, #tpu.memory_space<vmem>> -> memref<26x128xi32, #tpu.memory_space<vmem>>
      %dma_start3A_357 = arith.constant 0 : i32
      %dma_start3A_358 = tpu.memref_slice %arg2[%dma_start3A_357, %mul3A_2] : memref<26x4096xi32, #tpu.memory_space<hbm>> -> memref<26x128xi32, #tpu.memory_space<hbm>>
      tpu.enqueue_dma source(%dma_start3A_358 : memref<26x128xi32, #tpu.memory_space<hbm>>) target(%dma_start3A_356 : memref<26x128xi32, #tpu.memory_space<vmem>>) target_semaphore(%run_scoped3A : memref<!tpu.dma_semaphore, #tpu.memory_space<semaphore_mem>>)
      %dma_wait3A = arith.constant 0 : i32
      %dma_wait3A_359 = arith.constant 0 : i32
      %dma_wait3A_360 = tpu.memref_slice %arg7[%dma_wait3A, %dma_wait3A_359] : memref<27x128xi32, #tpu.memory_space<vmem>> -> memref<26x128xi32, #tpu.memory_space<vmem>>
      %dma_wait3A_361 = arith.constant 0 : i32
      %dma_wait3A_362 = tpu.memref_slice %arg2[%dma_wait3A_361, %mul3A_2] : memref<26x4096xi32, #tpu.memory_space<hbm>> -> memref<26x128xi32, #tpu.memory_space<hbm>>
      %dma_wait3A_363 = arith.constant 0 : i32
      %dma_wait3A_364 = arith.constant 0 : i32
      %dma_wait3A_365 = tpu.memref_slice %arg7[%dma_wait3A_363, %dma_wait3A_364] : memref<27x128xi32, #tpu.memory_space<vmem>> -> memref<26x128xi32, #tpu.memory_space<vmem>>
      %dma_wait3A_366 = arith.constant 0 : i32
      %dma_wait3A_367 = tpu.memref_slice %arg2[%dma_wait3A_366, %mul3A_2] : memref<26x4096xi32, #tpu.memory_space<hbm>> -> memref<26x128xi32, #tpu.memory_space<hbm>>
      tpu.wait_dma2 semaphore(%run_scoped3A : memref<!tpu.dma_semaphore, #tpu.memory_space<semaphore_mem>>) src(%dma_wait3A_367 : memref<26x128xi32, #tpu.memory_space<hbm>>) dst(%dma_wait3A_365 : memref<26x128xi32, #tpu.memory_space<vmem>>)
      tpu.yield
    }) : () -> ()
    %scan3A = arith.constant 0 : i32
    %scan3A_3 = arith.constant 0 : i32
    %scan3A_4 = arith.constant 208 : i32
    %scan3A_5 = arith.addi %scan3A_3, %scan3A_4 : i32
    %scan3A_6 = arith.constant 1 : i32
    %scan3A_7 = scf.for %scan3A_349 = %scan3A_3 to %scan3A_5 step %scan3A_6 iter_args(%scan3A_350 = %scan3A) -> (i32)  : i32 {
      %jit3A = arith.constant 8 : i32
      %div3A = arith.divsi %scan3A_349, %jit3A : i32
      %sign3A = arith.constant 0 : i32
      %sign3A_351 = arith.cmpi sgt, %scan3A_349, %sign3A : i32
      %sign3A_352 = arith.extui %sign3A_351 : i1 to i32
      %sign3A_353 = arith.constant 0 : i32
      %sign3A_354 = arith.cmpi slt, %scan3A_349, %sign3A_353 : i32
      %sign3A_355 = arith.extui %sign3A_354 : i1 to i32
      %sign3A_356 = arith.subi %sign3A_352, %sign3A_355 : i32
      %sign3A_357 = arith.constant 0 : i32
      %sign3A_358 = arith.cmpi sgt, %jit3A, %sign3A_357 : i32
      %sign3A_359 = arith.extui %sign3A_358 : i1 to i32
      %sign3A_360 = arith.constant 0 : i32
      %sign3A_361 = arith.cmpi slt, %jit3A, %sign3A_360 : i32
      %sign3A_362 = arith.extui %sign3A_361 : i1 to i32
      %sign3A_363 = arith.subi %sign3A_359, %sign3A_362 : i32
      %ne3A = arith.cmpi ne, %sign3A_356, %sign3A_363 : i32
      %rem3A_364 = arith.remsi %scan3A_349, %jit3A : i32
      %ne3A_365 = arith.constant 0 : i32
      %ne3A_366 = arith.cmpi ne, %rem3A_364, %ne3A_365 : i32
      %and3A = arith.andi %ne3A, %ne3A_366 : i1
      %sub3A = arith.constant 1 : i32
      %sub3A_367 = arith.subi %div3A, %sub3A : i32
      %select_n3A = arith.select %and3A, %sub3A_367, %div3A : i32
      %jit3A_368 = arith.constant 8 : i32
      %eq3A = arith.constant 0 : i32
      %eq3A_369 = arith.cmpi eq, %jit3A_368, %eq3A : i32
      %jit3A_370 = arith.constant 1 : i32
      %select_n3A_371 = arith.select %eq3A_369, %jit3A_370, %jit3A_368 : i32
      %rem3A_372 = arith.remsi %scan3A_349, %select_n3A_371 : i32
      %ne3A_373 = arith.constant 0 : i32
      %ne3A_374 = arith.cmpi ne, %rem3A_372, %ne3A_373 : i32
      %lt3A = arith.constant 0 : i32
      %lt3A_375 = arith.cmpi slt, %rem3A_372, %lt3A : i32
      %lt3A_376 = arith.constant 0 : i32
      %lt3A_377 = arith.cmpi slt, %select_n3A_371, %lt3A_376 : i32
      %ne3A_378 = arith.xori %lt3A_375, %lt3A_377 : i1
      %and3A_379 = arith.andi %ne3A_378, %ne3A_374 : i1
      %add3A_380 = arith.addi %rem3A_372, %select_n3A_371 : i32
      %select_n3A_381 = arith.select %and3A_379, %add3A_380, %rem3A_372 : i32
      %mul3A_382 = arith.constant 16 : i32
      %mul3A_383 = arith.muli %select_n3A_381, %mul3A_382 : i32
      %get3A_384 = arith.index_cast %select_n3A : i32 to index
      %get3A_385 = arith.index_cast %mul3A_383 : i32 to index
      %get3A_386 = tpu.vector_load %arg7[%get3A_384, %get3A_385] {strides = array<i32>} : memref<27x128xi32, #tpu.memory_space<vmem>>, vector<16xi32>,
      %shift_right_logical3A_387 = arith.constant 4 : i32
      %shift_right_logical3A_388 = vector.broadcast %shift_right_logical3A_387 : i32 to vector<16xi32>
      %shift_right_logical3A_389 = arith.shrui %get3A_386, %shift_right_logical3A_388 : vector<16xi32>
      %mul3A_390 = arith.constant 16 : i32
      %mul3A_391 = arith.muli %select_n3A_381, %mul3A_390 : i32
      %swap3A_392 = arith.index_cast %select_n3A : i32 to index
      %swap3A_393 = arith.index_cast %mul3A_391 : i32 to index
      %swap3A_394 = tpu.vector_load %arg9[%swap3A_392, %swap3A_393] {strides = array<i32>} : memref<26x128xi32, #tpu.memory_space<vmem>>, vector<16xi32>,
      tpu.vector_store %arg9[%swap3A_392, %swap3A_393], %shift_right_logical3A_389 {strides = array<i32>} : memref<26x128xi32, #tpu.memory_space<vmem>>, vector<16xi32>,
      %scan3A_395 = arith.constant 0 : i32
      scf.yield %scan3A_395 : i32
    }
    %scan3A_8 = arith.constant 208 : i32
    %scan3A_9 = arith.constant 0 : i32
    %scan3A_10 = arith.constant 0 : i32
    %scan3A_11 = arith.constant 26 : i32
    %scan3A_12 = arith.addi %scan3A_10, %scan3A_11 : i32
    %scan3A_13 = arith.constant 1 : i32
    %scan3A_14 = scf.for %scan3A_349 = %scan3A_10 to %scan3A_12 step %scan3A_13 iter_args(%scan3A_350 = %scan3A_9) -> (i32)  : i32 {
      %dma_start3A_351 = arith.constant 0 : i32
      %dma_start3A_352 = arith.constant 0 : i32
      %dma_start3A_353 = tpu.memref_slice %arg11[%scan3A_349, %dma_start3A_351, %dma_start3A_352] : memref<26x128x16xf32, #tpu.memory_space<vmem>> -> memref<1x128x16xf32, #tpu.memory_space<vmem>>
      %dma_start3A_354 = tpu.memref_squeeze %dma_start3A_353 : memref<1x128x16xf32, #tpu.memory_space<vmem>> -> memref<128x16xf32, #tpu.memory_space<vmem>>
      %dma_start3A_355 = arith.constant 0 : i32
      %dma_start3A_356 = tpu.memref_slice %arg9[%scan3A_349, %dma_start3A_355] : memref<26x128xi32, #tpu.memory_space<vmem>> -> memref<1x128xi32, #tpu.memory_space<vmem>>
      %dma_start3A_357 = tpu.memref_squeeze %dma_start3A_356 : memref<1x128xi32, #tpu.memory_space<vmem>> -> memref<128xi32, #tpu.memory_space<vmem>>
      %dma_start3A_358 = arith.constant 0 : i32
      %dma_start3A_359 = arith.constant 0 : i32
      %dma_start3A_360 = tpu.memref_slice %arg4[%scan3A_349, %dma_start3A_358, %dma_start3A_359] : memref<26x6250x16xf32, #tpu.memory_space<hbm>> -> memref<1x6250x16xf32, #tpu.memory_space<hbm>>
      %dma_start3A_361 = tpu.memref_squeeze %dma_start3A_360 : memref<1x6250x16xf32, #tpu.memory_space<hbm>> -> memref<6250x16xf32, #tpu.memory_space<hbm>>
      %dma_start3A_362 = arith.constant 0 : i32
      %dma_start3A_363 = arith.constant 0 : i32
      %dma_start3A_364 = tpu.memref_slice %dma_start3A_361[%dma_start3A_362, %dma_start3A_363] : memref<6250x16xf32, #tpu.memory_space<hbm>> -> memref<6250x16xf32, #tpu.memory_space<hbm>>
      tpu.enqueue_indirect_dma source(%dma_start3A_364 : memref<6250x16xf32, #tpu.memory_space<hbm>>) target(%dma_start3A_354 : memref<128x16xf32, #tpu.memory_space<vmem>>) offsets(%dma_start3A_357 : memref<128xi32, #tpu.memory_space<vmem>>) semaphore(%arg15 : memref<!tpu.dma_semaphore, #tpu.memory_space<semaphore_mem>>)
      %scan3A_365 = arith.constant 0 : i32
      scf.yield %scan3A_365 : i32
    }
    %scan3A_15 = arith.constant 26 : i32
    %iota3A = tpu.iota {dimensions = array<i32: 0>} : vector<16xi32>
    %mul3A_16 = arith.constant 6250 : i32
    %mul3A_17 = vector.broadcast %mul3A_16 : i32 to vector<16xi32>
    %mul3A_18 = arith.muli %iota3A, %mul3A_17 : vector<16xi32>
    %rem3A = arith.constant 0 : i32
    %rem3A_19 = arith.constant 4 : i32
    %rem3A_20 = arith.remsi %rem3A, %rem3A_19 : i32
    %get3A = arith.constant 0 : i32
    %get3A_21 = arith.index_cast %get3A : i32 to index
    %get3A_22 = arith.constant 0 : index
    %get3A_23 = tpu.vector_load %arg7[%get3A_21, %get3A_22] {strides = array<i32>} : memref<27x128xi32, #tpu.memory_space<vmem>>, vector<16xi32>,
    %shift_right_logical3A = arith.constant 4 : i32
    %shift_right_logical3A_24 = vector.broadcast %shift_right_logical3A : i32 to vector<16xi32>
    %shift_right_logical3A_25 = arith.shrui %get3A_23, %shift_right_logical3A_24 : vector<16xi32>
    %add3A_26 = arith.constant 0 : i32
    %add3A_27 = vector.broadcast %add3A_26 : i32 to vector<16xi32>
    %add3A_28 = arith.addi %add3A_27, %shift_right_logical3A_25 : vector<16xi32>
    %slice3A = vector.extract_strided_slice %add3A_28 {offsets = [0], sizes = [1], strides = [1]} : vector<16xi32> to vector<1xi32>
    %squeeze3A = vector.extract %slice3A[0] : i32 from vector<1xi32>
    %add3A_29 = vector.broadcast %squeeze3A : i32 to vector<16xi32>
    %add3A_30 = arith.addi %add3A_29, %mul3A_18 : vector<16xi32>
    %swap3A = arith.index_cast %rem3A_20 : i32 to index
    %swap3A_31 = arith.constant 0 : index
    %swap3A_32 = tpu.vector_load %arg8[%swap3A, %swap3A_31] {strides = array<i32>} : memref<4x128xi32, #tpu.memory_space<vmem>>, vector<16xi32>,
    tpu.vector_store %arg8[%swap3A, %swap3A_31], %add3A_30 {strides = array<i32>} : memref<4x128xi32, #tpu.memory_space<vmem>>, vector<16xi32>,
    %slice3A_33 = vector.extract_strided_slice %add3A_28 {offsets = [1], sizes = [1], strides = [1]} : vector<16xi32> to vector<1xi32>
    %squeeze3A_34 = vector.extract %slice3A_33[0] : i32 from vector<1xi32>
    %add3A_35 = vector.broadcast %squeeze3A_34 : i32 to vector<16xi32>
    %add3A_36 = arith.addi %add3A_35, %mul3A_18 : vector<16xi32>
    %swap3A_37 = arith.index_cast %rem3A_20 : i32 to index
    %swap3A_38 = arith.constant 16 : index
    %swap3A_39 = tpu.vector_load %arg8[%swap3A_37, %swap3A_38] {strides = array<i32>} : memref<4x128xi32, #tpu.memory_space<vmem>>, vector<16xi32>,
    tpu.vector_store %arg8[%swap3A_37, %swap3A_38], %add3A_36 {strides = array<i32>} : memref<4x128xi32, #tpu.memory_space<vmem>>, vector<16xi32>,
    %slice3A_40 = vector.extract_strided_slice %add3A_28 {offsets = [2], sizes = [1], strides = [1]} : vector<16xi32> to vector<1xi32>
    %squeeze3A_41 = vector.extract %slice3A_40[0] : i32 from vector<1xi32>
    %add3A_42 = vector.broadcast %squeeze3A_41 : i32 to vector<16xi32>
    %add3A_43 = arith.addi %add3A_42, %mul3A_18 : vector<16xi32>
    %swap3A_44 = arith.index_cast %rem3A_20 : i32 to index
    %swap3A_45 = arith.constant 32 : index
    %swap3A_46 = tpu.vector_load %arg8[%swap3A_44, %swap3A_45] {strides = array<i32>} : memref<4x128xi32, #tpu.memory_space<vmem>>, vector<16xi32>,
    tpu.vector_store %arg8[%swap3A_44, %swap3A_45], %add3A_43 {strides = array<i32>} : memref<4x128xi32, #tpu.memory_space<vmem>>, vector<16xi32>,
    %slice3A_47 = vector.extract_strided_slice %add3A_28 {offsets = [3], sizes = [1], strides = [1]} : vector<16xi32> to vector<1xi32>
    %squeeze3A_48 = vector.extract %slice3A_47[0] : i32 from vector<1xi32>
    %add3A_49 = vector.broadcast %squeeze3A_48 : i32 to vector<16xi32>
    %add3A_50 = arith.addi %add3A_49, %mul3A_18 : vector<16xi32>
    %swap3A_51 = arith.index_cast %rem3A_20 : i32 to index
    %swap3A_52 = arith.constant 48 : index
    %swap3A_53 = tpu.vector_load %arg8[%swap3A_51, %swap3A_52] {strides = array<i32>} : memref<4x128xi32, #tpu.memory_space<vmem>>, vector<16xi32>,
    tpu.vector_store %arg8[%swap3A_51, %swap3A_52], %add3A_50 {strides = array<i32>} : memref<4x128xi32, #tpu.memory_space<vmem>>, vector<16xi32>,
    %slice3A_54 = vector.extract_strided_slice %add3A_28 {offsets = [4], sizes = [1], strides = [1]} : vector<16xi32> to vector<1xi32>
    %squeeze3A_55 = vector.extract %slice3A_54[0] : i32 from vector<1xi32>
    %add3A_56 = vector.broadcast %squeeze3A_55 : i32 to vector<16xi32>
    %add3A_57 = arith.addi %add3A_56, %mul3A_18 : vector<16xi32>
    %swap3A_58 = arith.index_cast %rem3A_20 : i32 to index
    %swap3A_59 = arith.constant 64 : index
    %swap3A_60 = tpu.vector_load %arg8[%swap3A_58, %swap3A_59] {strides = array<i32>} : memref<4x128xi32, #tpu.memory_space<vmem>>, vector<16xi32>,
    tpu.vector_store %arg8[%swap3A_58, %swap3A_59], %add3A_57 {strides = array<i32>} : memref<4x128xi32, #tpu.memory_space<vmem>>, vector<16xi32>,
    %slice3A_61 = vector.extract_strided_slice %add3A_28 {offsets = [5], sizes = [1], strides = [1]} : vector<16xi32> to vector<1xi32>
    %squeeze3A_62 = vector.extract %slice3A_61[0] : i32 from vector<1xi32>
    %add3A_63 = vector.broadcast %squeeze3A_62 : i32 to vector<16xi32>
    %add3A_64 = arith.addi %add3A_63, %mul3A_18 : vector<16xi32>
    %swap3A_65 = arith.index_cast %rem3A_20 : i32 to index
    %swap3A_66 = arith.constant 80 : index
    %swap3A_67 = tpu.vector_load %arg8[%swap3A_65, %swap3A_66] {strides = array<i32>} : memref<4x128xi32, #tpu.memory_space<vmem>>, vector<16xi32>,
    tpu.vector_store %arg8[%swap3A_65, %swap3A_66], %add3A_64 {strides = array<i32>} : memref<4x128xi32, #tpu.memory_space<vmem>>, vector<16xi32>,
    %slice3A_68 = vector.extract_strided_slice %add3A_28 {offsets = [6], sizes = [1], strides = [1]} : vector<16xi32> to vector<1xi32>
    %squeeze3A_69 = vector.extract %slice3A_68[0] : i32 from vector<1xi32>
    %add3A_70 = vector.broadcast %squeeze3A_69 : i32 to vector<16xi32>
    %add3A_71 = arith.addi %add3A_70, %mul3A_18 : vector<16xi32>
    %swap3A_72 = arith.index_cast %rem3A_20 : i32 to index
    %swap3A_73 = arith.constant 96 : index
    %swap3A_74 = tpu.vector_load %arg8[%swap3A_72, %swap3A_73] {strides = array<i32>} : memref<4x128xi32, #tpu.memory_space<vmem>>, vector<16xi32>,
    tpu.vector_store %arg8[%swap3A_72, %swap3A_73], %add3A_71 {strides = array<i32>} : memref<4x128xi32, #tpu.memory_space<vmem>>, vector<16xi32>,
    %slice3A_75 = vector.extract_strided_slice %add3A_28 {offsets = [7], sizes = [1], strides = [1]} : vector<16xi32> to vector<1xi32>
    %squeeze3A_76 = vector.extract %slice3A_75[0] : i32 from vector<1xi32>
    %add3A_77 = vector.broadcast %squeeze3A_76 : i32 to vector<16xi32>
    %add3A_78 = arith.addi %add3A_77, %mul3A_18 : vector<16xi32>
    %swap3A_79 = arith.index_cast %rem3A_20 : i32 to index
    %swap3A_80 = arith.constant 112 : index
    %swap3A_81 = tpu.vector_load %arg8[%swap3A_79, %swap3A_80] {strides = array<i32>} : memref<4x128xi32, #tpu.memory_space<vmem>>, vector<16xi32>,
    tpu.vector_store %arg8[%swap3A_79, %swap3A_80], %add3A_78 {strides = array<i32>} : memref<4x128xi32, #tpu.memory_space<vmem>>, vector<16xi32>,
    %dma_start3A = arith.constant 0 : i32
    %dma_start3A_82 = arith.constant 0 : i32
    %dma_start3A_83 = tpu.memref_slice %arg10[%rem3A_20, %dma_start3A, %dma_start3A_82] : memref<4x128x16xf32, #tpu.memory_space<vmem>> -> memref<1x128x16xf32, #tpu.memory_space<vmem>>
    %dma_start3A_84 = tpu.memref_squeeze %dma_start3A_83 : memref<1x128x16xf32, #tpu.memory_space<vmem>> -> memref<128x16xf32, #tpu.memory_space<vmem>>
    %dma_start3A_85 = arith.constant 0 : i32
    %dma_start3A_86 = tpu.memref_slice %arg8[%rem3A_20, %dma_start3A_85] : memref<4x128xi32, #tpu.memory_space<vmem>> -> memref<1x128xi32, #tpu.memory_space<vmem>>
    %dma_start3A_87 = tpu.memref_squeeze %dma_start3A_86 : memref<1x128xi32, #tpu.memory_space<vmem>> -> memref<128xi32, #tpu.memory_space<vmem>>
    %dma_start3A_88 = arith.constant 0 : i32
    %dma_start3A_89 = arith.constant 0 : i32
    %dma_start3A_90 = tpu.memref_slice %arg3[%dma_start3A_88, %dma_start3A_89] : memref<2600000x16xf32, #tpu.memory_space<hbm>> -> memref<2600000x16xf32, #tpu.memory_space<hbm>>
    tpu.enqueue_indirect_dma source(%dma_start3A_90 : memref<2600000x16xf32, #tpu.memory_space<hbm>>) target(%dma_start3A_84 : memref<128x16xf32, #tpu.memory_space<vmem>>) offsets(%dma_start3A_87 : memref<128xi32, #tpu.memory_space<vmem>>) semaphore(%arg14 : memref<!tpu.dma_semaphore, #tpu.memory_space<semaphore_mem>>)
    %rem3A_91 = arith.constant 1 : i32
    %rem3A_92 = arith.constant 4 : i32
    %rem3A_93 = arith.remsi %rem3A_91, %rem3A_92 : i32
    %get3A_94 = arith.constant 0 : i32
    %get3A_95 = arith.index_cast %get3A_94 : i32 to index
    %get3A_96 = arith.constant 8 : index
    %get3A_97 = tpu.vector_load %arg7[%get3A_95, %get3A_96] {strides = array<i32>} : memref<27x128xi32, #tpu.memory_space<vmem>>, vector<16xi32>,
    %shift_right_logical3A_98 = arith.constant 4 : i32
    %shift_right_logical3A_99 = vector.broadcast %shift_right_logical3A_98 : i32 to vector<16xi32>
    %shift_right_logical3A_100 = arith.shrui %get3A_97, %shift_right_logical3A_99 : vector<16xi32>
    %add3A_101 = arith.constant 0 : i32
    %add3A_102 = vector.broadcast %add3A_101 : i32 to vector<16xi32>
    %add3A_103 = arith.addi %add3A_102, %shift_right_logical3A_100 : vector<16xi32>
    %slice3A_104 = vector.extract_strided_slice %add3A_103 {offsets = [0], sizes = [1], strides = [1]} : vector<16xi32> to vector<1xi32>
    %squeeze3A_105 = vector.extract %slice3A_104[0] : i32 from vector<1xi32>
    %add3A_106 = vector.broadcast %squeeze3A_105 : i32 to vector<16xi32>
    %add3A_107 = arith.addi %add3A_106, %mul3A_18 : vector<16xi32>
    %swap3A_108 = arith.index_cast %rem3A_93 : i32 to index
    %swap3A_109 = arith.constant 0 : index
    %swap3A_110 = tpu.vector_load %arg8[%swap3A_108, %swap3A_109] {strides = array<i32>} : memref<4x128xi32, #tpu.memory_space<vmem>>, vector<16xi32>,
    tpu.vector_store %arg8[%swap3A_108, %swap3A_109], %add3A_107 {strides = array<i32>} : memref<4x128xi32, #tpu.memory_space<vmem>>, vector<16xi32>,
    %slice3A_111 = vector.extract_strided_slice %add3A_103 {offsets = [1], sizes = [1], strides = [1]} : vector<16xi32> to vector<1xi32>
    %squeeze3A_112 = vector.extract %slice3A_111[0] : i32 from vector<1xi32>
    %add3A_113 = vector.broadcast %squeeze3A_112 : i32 to vector<16xi32>
    %add3A_114 = arith.addi %add3A_113, %mul3A_18 : vector<16xi32>
    %swap3A_115 = arith.index_cast %rem3A_93 : i32 to index
    %swap3A_116 = arith.constant 16 : index
    %swap3A_117 = tpu.vector_load %arg8[%swap3A_115, %swap3A_116] {strides = array<i32>} : memref<4x128xi32, #tpu.memory_space<vmem>>, vector<16xi32>,
    tpu.vector_store %arg8[%swap3A_115, %swap3A_116], %add3A_114 {strides = array<i32>} : memref<4x128xi32, #tpu.memory_space<vmem>>, vector<16xi32>,
    %slice3A_118 = vector.extract_strided_slice %add3A_103 {offsets = [2], sizes = [1], strides = [1]} : vector<16xi32> to vector<1xi32>
    %squeeze3A_119 = vector.extract %slice3A_118[0] : i32 from vector<1xi32>
    %add3A_120 = vector.broadcast %squeeze3A_119 : i32 to vector<16xi32>
    %add3A_121 = arith.addi %add3A_120, %mul3A_18 : vector<16xi32>
    %swap3A_122 = arith.index_cast %rem3A_93 : i32 to index
    %swap3A_123 = arith.constant 32 : index
    %swap3A_124 = tpu.vector_load %arg8[%swap3A_122, %swap3A_123] {strides = array<i32>} : memref<4x128xi32, #tpu.memory_space<vmem>>, vector<16xi32>,
    tpu.vector_store %arg8[%swap3A_122, %swap3A_123], %add3A_121 {strides = array<i32>} : memref<4x128xi32, #tpu.memory_space<vmem>>, vector<16xi32>,
    %slice3A_125 = vector.extract_strided_slice %add3A_103 {offsets = [3], sizes = [1], strides = [1]} : vector<16xi32> to vector<1xi32>
    %squeeze3A_126 = vector.extract %slice3A_125[0] : i32 from vector<1xi32>
    %add3A_127 = vector.broadcast %squeeze3A_126 : i32 to vector<16xi32>
    %add3A_128 = arith.addi %add3A_127, %mul3A_18 : vector<16xi32>
    %swap3A_129 = arith.index_cast %rem3A_93 : i32 to index
    %swap3A_130 = arith.constant 48 : index
    %swap3A_131 = tpu.vector_load %arg8[%swap3A_129, %swap3A_130] {strides = array<i32>} : memref<4x128xi32, #tpu.memory_space<vmem>>, vector<16xi32>,
    tpu.vector_store %arg8[%swap3A_129, %swap3A_130], %add3A_128 {strides = array<i32>} : memref<4x128xi32, #tpu.memory_space<vmem>>, vector<16xi32>,
    %slice3A_132 = vector.extract_strided_slice %add3A_103 {offsets = [4], sizes = [1], strides = [1]} : vector<16xi32> to vector<1xi32>
    %squeeze3A_133 = vector.extract %slice3A_132[0] : i32 from vector<1xi32>
    %add3A_134 = vector.broadcast %squeeze3A_133 : i32 to vector<16xi32>
    %add3A_135 = arith.addi %add3A_134, %mul3A_18 : vector<16xi32>
    %swap3A_136 = arith.index_cast %rem3A_93 : i32 to index
    %swap3A_137 = arith.constant 64 : index
    %swap3A_138 = tpu.vector_load %arg8[%swap3A_136, %swap3A_137] {strides = array<i32>} : memref<4x128xi32, #tpu.memory_space<vmem>>, vector<16xi32>,
    tpu.vector_store %arg8[%swap3A_136, %swap3A_137], %add3A_135 {strides = array<i32>} : memref<4x128xi32, #tpu.memory_space<vmem>>, vector<16xi32>,
    %slice3A_139 = vector.extract_strided_slice %add3A_103 {offsets = [5], sizes = [1], strides = [1]} : vector<16xi32> to vector<1xi32>
    %squeeze3A_140 = vector.extract %slice3A_139[0] : i32 from vector<1xi32>
    %add3A_141 = vector.broadcast %squeeze3A_140 : i32 to vector<16xi32>
    %add3A_142 = arith.addi %add3A_141, %mul3A_18 : vector<16xi32>
    %swap3A_143 = arith.index_cast %rem3A_93 : i32 to index
    %swap3A_144 = arith.constant 80 : index
    %swap3A_145 = tpu.vector_load %arg8[%swap3A_143, %swap3A_144] {strides = array<i32>} : memref<4x128xi32, #tpu.memory_space<vmem>>, vector<16xi32>,
    tpu.vector_store %arg8[%swap3A_143, %swap3A_144], %add3A_142 {strides = array<i32>} : memref<4x128xi32, #tpu.memory_space<vmem>>, vector<16xi32>,
    %slice3A_146 = vector.extract_strided_slice %add3A_103 {offsets = [6], sizes = [1], strides = [1]} : vector<16xi32> to vector<1xi32>
    %squeeze3A_147 = vector.extract %slice3A_146[0] : i32 from vector<1xi32>
    %add3A_148 = vector.broadcast %squeeze3A_147 : i32 to vector<16xi32>
    %add3A_149 = arith.addi %add3A_148, %mul3A_18 : vector<16xi32>
    %swap3A_150 = arith.index_cast %rem3A_93 : i32 to index
    %swap3A_151 = arith.constant 96 : index
    %swap3A_152 = tpu.vector_load %arg8[%swap3A_150, %swap3A_151] {strides = array<i32>} : memref<4x128xi32, #tpu.memory_space<vmem>>, vector<16xi32>,
    tpu.vector_store %arg8[%swap3A_150, %swap3A_151], %add3A_149 {strides = array<i32>} : memref<4x128xi32, #tpu.memory_space<vmem>>, vector<16xi32>,
    %slice3A_153 = vector.extract_strided_slice %add3A_103 {offsets = [7], sizes = [1], strides = [1]} : vector<16xi32> to vector<1xi32>
    %squeeze3A_154 = vector.extract %slice3A_153[0] : i32 from vector<1xi32>
    %add3A_155 = vector.broadcast %squeeze3A_154 : i32 to vector<16xi32>
    %add3A_156 = arith.addi %add3A_155, %mul3A_18 : vector<16xi32>
    %swap3A_157 = arith.index_cast %rem3A_93 : i32 to index
    %swap3A_158 = arith.constant 112 : index
    %swap3A_159 = tpu.vector_load %arg8[%swap3A_157, %swap3A_158] {strides = array<i32>} : memref<4x128xi32, #tpu.memory_space<vmem>>, vector<16xi32>,
    tpu.vector_store %arg8[%swap3A_157, %swap3A_158], %add3A_156 {strides = array<i32>} : memref<4x128xi32, #tpu.memory_space<vmem>>, vector<16xi32>,
    %dma_start3A_160 = arith.constant 0 : i32
    %dma_start3A_161 = arith.constant 0 : i32
    %dma_start3A_162 = tpu.memref_slice %arg10[%rem3A_93, %dma_start3A_160, %dma_start3A_161] : memref<4x128x16xf32, #tpu.memory_space<vmem>> -> memref<1x128x16xf32, #tpu.memory_space<vmem>>
    %dma_start3A_163 = tpu.memref_squeeze %dma_start3A_162 : memref<1x128x16xf32, #tpu.memory_space<vmem>> -> memref<128x16xf32, #tpu.memory_space<vmem>>
    %dma_start3A_164 = arith.constant 0 : i32
    %dma_start3A_165 = tpu.memref_slice %arg8[%rem3A_93, %dma_start3A_164] : memref<4x128xi32, #tpu.memory_space<vmem>> -> memref<1x128xi32, #tpu.memory_space<vmem>>
    %dma_start3A_166 = tpu.memref_squeeze %dma_start3A_165 : memref<1x128xi32, #tpu.memory_space<vmem>> -> memref<128xi32, #tpu.memory_space<vmem>>
    %dma_start3A_167 = arith.constant 0 : i32
    %dma_start3A_168 = arith.constant 0 : i32
    %dma_start3A_169 = tpu.memref_slice %arg3[%dma_start3A_167, %dma_start3A_168] : memref<2600000x16xf32, #tpu.memory_space<hbm>> -> memref<2600000x16xf32, #tpu.memory_space<hbm>>
    tpu.enqueue_indirect_dma source(%dma_start3A_169 : memref<2600000x16xf32, #tpu.memory_space<hbm>>) target(%dma_start3A_163 : memref<128x16xf32, #tpu.memory_space<vmem>>) offsets(%dma_start3A_166 : memref<128xi32, #tpu.memory_space<vmem>>) semaphore(%arg14 : memref<!tpu.dma_semaphore, #tpu.memory_space<semaphore_mem>>)
    %rem3A_170 = arith.constant 2 : i32
    %rem3A_171 = arith.constant 4 : i32
    %rem3A_172 = arith.remsi %rem3A_170, %rem3A_171 : i32
    %get3A_173 = arith.constant 0 : i32
    %get3A_174 = arith.index_cast %get3A_173 : i32 to index
    %get3A_175 = arith.constant 16 : index
    %get3A_176 = tpu.vector_load %arg7[%get3A_174, %get3A_175] {strides = array<i32>} : memref<27x128xi32, #tpu.memory_space<vmem>>, vector<16xi32>,
    %shift_right_logical3A_177 = arith.constant 4 : i32
    %shift_right_logical3A_178 = vector.broadcast %shift_right_logical3A_177 : i32 to vector<16xi32>
    %shift_right_logical3A_179 = arith.shrui %get3A_176, %shift_right_logical3A_178 : vector<16xi32>
    %add3A_180 = arith.constant 0 : i32
    %add3A_181 = vector.broadcast %add3A_180 : i32 to vector<16xi32>
    %add3A_182 = arith.addi %add3A_181, %shift_right_logical3A_179 : vector<16xi32>
    %slice3A_183 = vector.extract_strided_slice %add3A_182 {offsets = [0], sizes = [1], strides = [1]} : vector<16xi32> to vector<1xi32>
    %squeeze3A_184 = vector.extract %slice3A_183[0] : i32 from vector<1xi32>
    %add3A_185 = vector.broadcast %squeeze3A_184 : i32 to vector<16xi32>
    %add3A_186 = arith.addi %add3A_185, %mul3A_18 : vector<16xi32>
    %swap3A_187 = arith.index_cast %rem3A_172 : i32 to index
    %swap3A_188 = arith.constant 0 : index
    %swap3A_189 = tpu.vector_load %arg8[%swap3A_187, %swap3A_188] {strides = array<i32>} : memref<4x128xi32, #tpu.memory_space<vmem>>, vector<16xi32>,
    tpu.vector_store %arg8[%swap3A_187, %swap3A_188], %add3A_186 {strides = array<i32>} : memref<4x128xi32, #tpu.memory_space<vmem>>, vector<16xi32>,
    %slice3A_190 = vector.extract_strided_slice %add3A_182 {offsets = [1], sizes = [1], strides = [1]} : vector<16xi32> to vector<1xi32>
    %squeeze3A_191 = vector.extract %slice3A_190[0] : i32 from vector<1xi32>
    %add3A_192 = vector.broadcast %squeeze3A_191 : i32 to vector<16xi32>
    %add3A_193 = arith.addi %add3A_192, %mul3A_18 : vector<16xi32>
    %swap3A_194 = arith.index_cast %rem3A_172 : i32 to index
    %swap3A_195 = arith.constant 16 : index
    %swap3A_196 = tpu.vector_load %arg8[%swap3A_194, %swap3A_195] {strides = array<i32>} : memref<4x128xi32, #tpu.memory_space<vmem>>, vector<16xi32>,
    tpu.vector_store %arg8[%swap3A_194, %swap3A_195], %add3A_193 {strides = array<i32>} : memref<4x128xi32, #tpu.memory_space<vmem>>, vector<16xi32>,
    %slice3A_197 = vector.extract_strided_slice %add3A_182 {offsets = [2], sizes = [1], strides = [1]} : vector<16xi32> to vector<1xi32>
    %squeeze3A_198 = vector.extract %slice3A_197[0] : i32 from vector<1xi32>
    %add3A_199 = vector.broadcast %squeeze3A_198 : i32 to vector<16xi32>
    %add3A_200 = arith.addi %add3A_199, %mul3A_18 : vector<16xi32>
    %swap3A_201 = arith.index_cast %rem3A_172 : i32 to index
    %swap3A_202 = arith.constant 32 : index
    %swap3A_203 = tpu.vector_load %arg8[%swap3A_201, %swap3A_202] {strides = array<i32>} : memref<4x128xi32, #tpu.memory_space<vmem>>, vector<16xi32>,
    tpu.vector_store %arg8[%swap3A_201, %swap3A_202], %add3A_200 {strides = array<i32>} : memref<4x128xi32, #tpu.memory_space<vmem>>, vector<16xi32>,
    %slice3A_204 = vector.extract_strided_slice %add3A_182 {offsets = [3], sizes = [1], strides = [1]} : vector<16xi32> to vector<1xi32>
    %squeeze3A_205 = vector.extract %slice3A_204[0] : i32 from vector<1xi32>
    %add3A_206 = vector.broadcast %squeeze3A_205 : i32 to vector<16xi32>
    %add3A_207 = arith.addi %add3A_206, %mul3A_18 : vector<16xi32>
    %swap3A_208 = arith.index_cast %rem3A_172 : i32 to index
    %swap3A_209 = arith.constant 48 : index
    %swap3A_210 = tpu.vector_load %arg8[%swap3A_208, %swap3A_209] {strides = array<i32>} : memref<4x128xi32, #tpu.memory_space<vmem>>, vector<16xi32>,
    tpu.vector_store %arg8[%swap3A_208, %swap3A_209], %add3A_207 {strides = array<i32>} : memref<4x128xi32, #tpu.memory_space<vmem>>, vector<16xi32>,
    %slice3A_211 = vector.extract_strided_slice %add3A_182 {offsets = [4], sizes = [1], strides = [1]} : vector<16xi32> to vector<1xi32>
    %squeeze3A_212 = vector.extract %slice3A_211[0] : i32 from vector<1xi32>
    %add3A_213 = vector.broadcast %squeeze3A_212 : i32 to vector<16xi32>
    %add3A_214 = arith.addi %add3A_213, %mul3A_18 : vector<16xi32>
    %swap3A_215 = arith.index_cast %rem3A_172 : i32 to index
    %swap3A_216 = arith.constant 64 : index
    %swap3A_217 = tpu.vector_load %arg8[%swap3A_215, %swap3A_216] {strides = array<i32>} : memref<4x128xi32, #tpu.memory_space<vmem>>, vector<16xi32>,
    tpu.vector_store %arg8[%swap3A_215, %swap3A_216], %add3A_214 {strides = array<i32>} : memref<4x128xi32, #tpu.memory_space<vmem>>, vector<16xi32>,
    %slice3A_218 = vector.extract_strided_slice %add3A_182 {offsets = [5], sizes = [1], strides = [1]} : vector<16xi32> to vector<1xi32>
    %squeeze3A_219 = vector.extract %slice3A_218[0] : i32 from vector<1xi32>
    %add3A_220 = vector.broadcast %squeeze3A_219 : i32 to vector<16xi32>
    %add3A_221 = arith.addi %add3A_220, %mul3A_18 : vector<16xi32>
    %swap3A_222 = arith.index_cast %rem3A_172 : i32 to index
    %swap3A_223 = arith.constant 80 : index
    %swap3A_224 = tpu.vector_load %arg8[%swap3A_222, %swap3A_223] {strides = array<i32>} : memref<4x128xi32, #tpu.memory_space<vmem>>, vector<16xi32>,
    tpu.vector_store %arg8[%swap3A_222, %swap3A_223], %add3A_221 {strides = array<i32>} : memref<4x128xi32, #tpu.memory_space<vmem>>, vector<16xi32>,
    %slice3A_225 = vector.extract_strided_slice %add3A_182 {offsets = [6], sizes = [1], strides = [1]} : vector<16xi32> to vector<1xi32>
    %squeeze3A_226 = vector.extract %slice3A_225[0] : i32 from vector<1xi32>
    %add3A_227 = vector.broadcast %squeeze3A_226 : i32 to vector<16xi32>
    %add3A_228 = arith.addi %add3A_227, %mul3A_18 : vector<16xi32>
    %swap3A_229 = arith.index_cast %rem3A_172 : i32 to index
    %swap3A_230 = arith.constant 96 : index
    %swap3A_231 = tpu.vector_load %arg8[%swap3A_229, %swap3A_230] {strides = array<i32>} : memref<4x128xi32, #tpu.memory_space<vmem>>, vector<16xi32>,
    tpu.vector_store %arg8[%swap3A_229, %swap3A_230], %add3A_228 {strides = array<i32>} : memref<4x128xi32, #tpu.memory_space<vmem>>, vector<16xi32>,
    %slice3A_232 = vector.extract_strided_slice %add3A_182 {offsets = [7], sizes = [1], strides = [1]} : vector<16xi32> to vector<1xi32>
    %squeeze3A_233 = vector.extract %slice3A_232[0] : i32 from vector<1xi32>
    %add3A_234 = vector.broadcast %squeeze3A_233 : i32 to vector<16xi32>
    %add3A_235 = arith.addi %add3A_234, %mul3A_18 : vector<16xi32>
    %swap3A_236 = arith.index_cast %rem3A_172 : i32 to index
    %swap3A_237 = arith.constant 112 : index
    %swap3A_238 = tpu.vector_load %arg8[%swap3A_236, %swap3A_237] {strides = array<i32>} : memref<4x128xi32, #tpu.memory_space<vmem>>, vector<16xi32>,
    tpu.vector_store %arg8[%swap3A_236, %swap3A_237], %add3A_235 {strides = array<i32>} : memref<4x128xi32, #tpu.memory_space<vmem>>, vector<16xi32>,
    %dma_start3A_239 = arith.constant 0 : i32
    %dma_start3A_240 = arith.constant 0 : i32
    %dma_start3A_241 = tpu.memref_slice %arg10[%rem3A_172, %dma_start3A_239, %dma_start3A_240] : memref<4x128x16xf32, #tpu.memory_space<vmem>> -> memref<1x128x16xf32, #tpu.memory_space<vmem>>
    %dma_start3A_242 = tpu.memref_squeeze %dma_start3A_241 : memref<1x128x16xf32, #tpu.memory_space<vmem>> -> memref<128x16xf32, #tpu.memory_space<vmem>>
    %dma_start3A_243 = arith.constant 0 : i32
    %dma_start3A_244 = tpu.memref_slice %arg8[%rem3A_172, %dma_start3A_243] : memref<4x128xi32, #tpu.memory_space<vmem>> -> memref<1x128xi32, #tpu.memory_space<vmem>>
    %dma_start3A_245 = tpu.memref_squeeze %dma_start3A_244 : memref<1x128xi32, #tpu.memory_space<vmem>> -> memref<128xi32, #tpu.memory_space<vmem>>
    %dma_start3A_246 = arith.constant 0 : i32
    %dma_start3A_247 = arith.constant 0 : i32
    %dma_start3A_248 = tpu.memref_slice %arg3[%dma_start3A_246, %dma_start3A_247] : memref<2600000x16xf32, #tpu.memory_space<hbm>> -> memref<2600000x16xf32, #tpu.memory_space<hbm>>
    tpu.enqueue_indirect_dma source(%dma_start3A_248 : memref<2600000x16xf32, #tpu.memory_space<hbm>>) target(%dma_start3A_242 : memref<128x16xf32, #tpu.memory_space<vmem>>) offsets(%dma_start3A_245 : memref<128xi32, #tpu.memory_space<vmem>>) semaphore(%arg14 : memref<!tpu.dma_semaphore, #tpu.memory_space<semaphore_mem>>)
    %rem3A_249 = arith.constant 3 : i32
    %rem3A_250 = arith.constant 4 : i32
    %rem3A_251 = arith.remsi %rem3A_249, %rem3A_250 : i32
    %get3A_252 = arith.constant 0 : i32
    %get3A_253 = arith.index_cast %get3A_252 : i32 to index
    %get3A_254 = arith.constant 24 : index
    %get3A_255 = tpu.vector_load %arg7[%get3A_253, %get3A_254] {strides = array<i32>} : memref<27x128xi32, #tpu.memory_space<vmem>>, vector<16xi32>,
    %shift_right_logical3A_256 = arith.constant 4 : i32
    %shift_right_logical3A_257 = vector.broadcast %shift_right_logical3A_256 : i32 to vector<16xi32>
    %shift_right_logical3A_258 = arith.shrui %get3A_255, %shift_right_logical3A_257 : vector<16xi32>
    %add3A_259 = arith.constant 0 : i32
    %add3A_260 = vector.broadcast %add3A_259 : i32 to vector<16xi32>
    %add3A_261 = arith.addi %add3A_260, %shift_right_logical3A_258 : vector<16xi32>
    %slice3A_262 = vector.extract_strided_slice %add3A_261 {offsets = [0], sizes = [1], strides = [1]} : vector<16xi32> to vector<1xi32>
    %squeeze3A_263 = vector.extract %slice3A_262[0] : i32 from vector<1xi32>
    %add3A_264 = vector.broadcast %squeeze3A_263 : i32 to vector<16xi32>
    %add3A_265 = arith.addi %add3A_264, %mul3A_18 : vector<16xi32>
    %swap3A_266 = arith.index_cast %rem3A_251 : i32 to index
    %swap3A_267 = arith.constant 0 : index
    %swap3A_268 = tpu.vector_load %arg8[%swap3A_266, %swap3A_267] {strides = array<i32>} : memref<4x128xi32, #tpu.memory_space<vmem>>, vector<16xi32>,
    tpu.vector_store %arg8[%swap3A_266, %swap3A_267], %add3A_265 {strides = array<i32>} : memref<4x128xi32, #tpu.memory_space<vmem>>, vector<16xi32>,
    %slice3A_269 = vector.extract_strided_slice %add3A_261 {offsets = [1], sizes = [1], strides = [1]} : vector<16xi32> to vector<1xi32>
    %squeeze3A_270 = vector.extract %slice3A_269[0] : i32 from vector<1xi32>
    %add3A_271 = vector.broadcast %squeeze3A_270 : i32 to vector<16xi32>
    %add3A_272 = arith.addi %add3A_271, %mul3A_18 : vector<16xi32>
    %swap3A_273 = arith.index_cast %rem3A_251 : i32 to index
    %swap3A_274 = arith.constant 16 : index
    %swap3A_275 = tpu.vector_load %arg8[%swap3A_273, %swap3A_274] {strides = array<i32>} : memref<4x128xi32, #tpu.memory_space<vmem>>, vector<16xi32>,
    tpu.vector_store %arg8[%swap3A_273, %swap3A_274], %add3A_272 {strides = array<i32>} : memref<4x128xi32, #tpu.memory_space<vmem>>, vector<16xi32>,
    %slice3A_276 = vector.extract_strided_slice %add3A_261 {offsets = [2], sizes = [1], strides = [1]} : vector<16xi32> to vector<1xi32>
    %squeeze3A_277 = vector.extract %slice3A_276[0] : i32 from vector<1xi32>
    %add3A_278 = vector.broadcast %squeeze3A_277 : i32 to vector<16xi32>
    %add3A_279 = arith.addi %add3A_278, %mul3A_18 : vector<16xi32>
    %swap3A_280 = arith.index_cast %rem3A_251 : i32 to index
    %swap3A_281 = arith.constant 32 : index
    %swap3A_282 = tpu.vector_load %arg8[%swap3A_280, %swap3A_281] {strides = array<i32>} : memref<4x128xi32, #tpu.memory_space<vmem>>, vector<16xi32>,
    tpu.vector_store %arg8[%swap3A_280, %swap3A_281], %add3A_279 {strides = array<i32>} : memref<4x128xi32, #tpu.memory_space<vmem>>, vector<16xi32>,
    %slice3A_283 = vector.extract_strided_slice %add3A_261 {offsets = [3], sizes = [1], strides = [1]} : vector<16xi32> to vector<1xi32>
    %squeeze3A_284 = vector.extract %slice3A_283[0] : i32 from vector<1xi32>
    %add3A_285 = vector.broadcast %squeeze3A_284 : i32 to vector<16xi32>
    %add3A_286 = arith.addi %add3A_285, %mul3A_18 : vector<16xi32>
    %swap3A_287 = arith.index_cast %rem3A_251 : i32 to index
    %swap3A_288 = arith.constant 48 : index
    %swap3A_289 = tpu.vector_load %arg8[%swap3A_287, %swap3A_288] {strides = array<i32>} : memref<4x128xi32, #tpu.memory_space<vmem>>, vector<16xi32>,
    tpu.vector_store %arg8[%swap3A_287, %swap3A_288], %add3A_286 {strides = array<i32>} : memref<4x128xi32, #tpu.memory_space<vmem>>, vector<16xi32>,
    %slice3A_290 = vector.extract_strided_slice %add3A_261 {offsets = [4], sizes = [1], strides = [1]} : vector<16xi32> to vector<1xi32>
    %squeeze3A_291 = vector.extract %slice3A_290[0] : i32 from vector<1xi32>
    %add3A_292 = vector.broadcast %squeeze3A_291 : i32 to vector<16xi32>
    %add3A_293 = arith.addi %add3A_292, %mul3A_18 : vector<16xi32>
    %swap3A_294 = arith.index_cast %rem3A_251 : i32 to index
    %swap3A_295 = arith.constant 64 : index
    %swap3A_296 = tpu.vector_load %arg8[%swap3A_294, %swap3A_295] {strides = array<i32>} : memref<4x128xi32, #tpu.memory_space<vmem>>, vector<16xi32>,
    tpu.vector_store %arg8[%swap3A_294, %swap3A_295], %add3A_293 {strides = array<i32>} : memref<4x128xi32, #tpu.memory_space<vmem>>, vector<16xi32>,
    %slice3A_297 = vector.extract_strided_slice %add3A_261 {offsets = [5], sizes = [1], strides = [1]} : vector<16xi32> to vector<1xi32>
    %squeeze3A_298 = vector.extract %slice3A_297[0] : i32 from vector<1xi32>
    %add3A_299 = vector.broadcast %squeeze3A_298 : i32 to vector<16xi32>
    %add3A_300 = arith.addi %add3A_299, %mul3A_18 : vector<16xi32>
    %swap3A_301 = arith.index_cast %rem3A_251 : i32 to index
    %swap3A_302 = arith.constant 80 : index
    %swap3A_303 = tpu.vector_load %arg8[%swap3A_301, %swap3A_302] {strides = array<i32>} : memref<4x128xi32, #tpu.memory_space<vmem>>, vector<16xi32>,
    tpu.vector_store %arg8[%swap3A_301, %swap3A_302], %add3A_300 {strides = array<i32>} : memref<4x128xi32, #tpu.memory_space<vmem>>, vector<16xi32>,
    %slice3A_304 = vector.extract_strided_slice %add3A_261 {offsets = [6], sizes = [1], strides = [1]} : vector<16xi32> to vector<1xi32>
    %squeeze3A_305 = vector.extract %slice3A_304[0] : i32 from vector<1xi32>
    %add3A_306 = vector.broadcast %squeeze3A_305 : i32 to vector<16xi32>
    %add3A_307 = arith.addi %add3A_306, %mul3A_18 : vector<16xi32>
    %swap3A_308 = arith.index_cast %rem3A_251 : i32 to index
    %swap3A_309 = arith.constant 96 : index
    %swap3A_310 = tpu.vector_load %arg8[%swap3A_308, %swap3A_309] {strides = array<i32>} : memref<4x128xi32, #tpu.memory_space<vmem>>, vector<16xi32>,
    tpu.vector_store %arg8[%swap3A_308, %swap3A_309], %add3A_307 {strides = array<i32>} : memref<4x128xi32, #tpu.memory_space<vmem>>, vector<16xi32>,
    %slice3A_311 = vector.extract_strided_slice %add3A_261 {offsets = [7], sizes = [1], strides = [1]} : vector<16xi32> to vector<1xi32>
    %squeeze3A_312 = vector.extract %slice3A_311[0] : i32 from vector<1xi32>
    %add3A_313 = vector.broadcast %squeeze3A_312 : i32 to vector<16xi32>
    %add3A_314 = arith.addi %add3A_313, %mul3A_18 : vector<16xi32>
    %swap3A_315 = arith.index_cast %rem3A_251 : i32 to index
    %swap3A_316 = arith.constant 112 : index
    %swap3A_317 = tpu.vector_load %arg8[%swap3A_315, %swap3A_316] {strides = array<i32>} : memref<4x128xi32, #tpu.memory_space<vmem>>, vector<16xi32>,
    tpu.vector_store %arg8[%swap3A_315, %swap3A_316], %add3A_314 {strides = array<i32>} : memref<4x128xi32, #tpu.memory_space<vmem>>, vector<16xi32>,
    %dma_start3A_318 = arith.constant 0 : i32
    %dma_start3A_319 = arith.constant 0 : i32
    %dma_start3A_320 = tpu.memref_slice %arg10[%rem3A_251, %dma_start3A_318, %dma_start3A_319] : memref<4x128x16xf32, #tpu.memory_space<vmem>> -> memref<1x128x16xf32, #tpu.memory_space<vmem>>
    %dma_start3A_321 = tpu.memref_squeeze %dma_start3A_320 : memref<1x128x16xf32, #tpu.memory_space<vmem>> -> memref<128x16xf32, #tpu.memory_space<vmem>>
    %dma_start3A_322 = arith.constant 0 : i32
    %dma_start3A_323 = tpu.memref_slice %arg8[%rem3A_251, %dma_start3A_322] : memref<4x128xi32, #tpu.memory_space<vmem>> -> memref<1x128xi32, #tpu.memory_space<vmem>>
    %dma_start3A_324 = tpu.memref_squeeze %dma_start3A_323 : memref<1x128xi32, #tpu.memory_space<vmem>> -> memref<128xi32, #tpu.memory_space<vmem>>
    %dma_start3A_325 = arith.constant 0 : i32
    %dma_start3A_326 = arith.constant 0 : i32
    %dma_start3A_327 = tpu.memref_slice %arg3[%dma_start3A_325, %dma_start3A_326] : memref<2600000x16xf32, #tpu.memory_space<hbm>> -> memref<2600000x16xf32, #tpu.memory_space<hbm>>
    tpu.enqueue_indirect_dma source(%dma_start3A_327 : memref<2600000x16xf32, #tpu.memory_space<hbm>>) target(%dma_start3A_321 : memref<128x16xf32, #tpu.memory_space<vmem>>) offsets(%dma_start3A_324 : memref<128xi32, #tpu.memory_space<vmem>>) semaphore(%arg14 : memref<!tpu.dma_semaphore, #tpu.memory_space<semaphore_mem>>)
    %scan3A_328 = arith.constant 0 : i32
    %scan3A_329 = arith.constant 0 : i32
    %scan3A_330 = arith.constant 416 : i32
    %scan3A_331 = arith.addi %scan3A_329, %scan3A_330 : i32
    %scan3A_332 = arith.constant 1 : i32
    %scan3A_333 = scf.for %scan3A_349 = %scan3A_329 to %scan3A_331 step %scan3A_332 iter_args(%scan3A_350 = %scan3A_328) -> (i32)  : i32 {
      %rem3A_351 = arith.constant 4 : i32
      %rem3A_352 = arith.remsi %scan3A_349, %rem3A_351 : i32
      %jit3A = arith.constant 16 : i32
      %div3A = arith.divsi %scan3A_349, %jit3A : i32
      %sign3A = arith.constant 0 : i32
      %sign3A_353 = arith.cmpi sgt, %scan3A_349, %sign3A : i32
      %sign3A_354 = arith.extui %sign3A_353 : i1 to i32
      %sign3A_355 = arith.constant 0 : i32
      %sign3A_356 = arith.cmpi slt, %scan3A_349, %sign3A_355 : i32
      %sign3A_357 = arith.extui %sign3A_356 : i1 to i32
      %sign3A_358 = arith.subi %sign3A_354, %sign3A_357 : i32
      %sign3A_359 = arith.constant 0 : i32
      %sign3A_360 = arith.cmpi sgt, %jit3A, %sign3A_359 : i32
      %sign3A_361 = arith.extui %sign3A_360 : i1 to i32
      %sign3A_362 = arith.constant 0 : i32
      %sign3A_363 = arith.cmpi slt, %jit3A, %sign3A_362 : i32
      %sign3A_364 = arith.extui %sign3A_363 : i1 to i32
      %sign3A_365 = arith.subi %sign3A_361, %sign3A_364 : i32
      %ne3A = arith.cmpi ne, %sign3A_358, %sign3A_365 : i32
      %rem3A_366 = arith.remsi %scan3A_349, %jit3A : i32
      %ne3A_367 = arith.constant 0 : i32
      %ne3A_368 = arith.cmpi ne, %rem3A_366, %ne3A_367 : i32
      %and3A = arith.andi %ne3A, %ne3A_368 : i1
      %sub3A = arith.constant 1 : i32
      %sub3A_369 = arith.subi %div3A, %sub3A : i32
      %select_n3A = arith.select %and3A, %sub3A_369, %div3A : i32
      %jit3A_370 = arith.constant 16 : i32
      %eq3A = arith.constant 0 : i32
      %eq3A_371 = arith.cmpi eq, %jit3A_370, %eq3A : i32
      %jit3A_372 = arith.constant 1 : i32
      %select_n3A_373 = arith.select %eq3A_371, %jit3A_372, %jit3A_370 : i32
      %rem3A_374 = arith.remsi %scan3A_349, %select_n3A_373 : i32
      %ne3A_375 = arith.constant 0 : i32
      %ne3A_376 = arith.cmpi ne, %rem3A_374, %ne3A_375 : i32
      %lt3A = arith.constant 0 : i32
      %lt3A_377 = arith.cmpi slt, %rem3A_374, %lt3A : i32
      %lt3A_378 = arith.constant 0 : i32
      %lt3A_379 = arith.cmpi slt, %select_n3A_373, %lt3A_378 : i32
      %ne3A_380 = arith.xori %lt3A_377, %lt3A_379 : i1
      %and3A_381 = arith.andi %ne3A_380, %ne3A_376 : i1
      %add3A_382 = arith.addi %rem3A_374, %select_n3A_373 : i32
      %select_n3A_383 = arith.select %and3A_381, %add3A_382, %rem3A_374 : i32
      %mul3A_384 = arith.constant 8 : i32
      %mul3A_385 = arith.muli %select_n3A_383, %mul3A_384 : i32
      %dma_wait3A = arith.constant 0 : i32
      %dma_wait3A_386 = arith.constant 0 : i32
      %dma_wait3A_387 = tpu.memref_slice %arg10[%rem3A_352, %dma_wait3A, %dma_wait3A_386] : memref<4x128x16xf32, #tpu.memory_space<vmem>> -> memref<1x128x16xf32, #tpu.memory_space<vmem>>
      %dma_wait3A_388 = tpu.memref_squeeze %dma_wait3A_387 : memref<1x128x16xf32, #tpu.memory_space<vmem>> -> memref<128x16xf32, #tpu.memory_space<vmem>>
      %dma_wait3A_389 = arith.constant 0 : i32
      %dma_wait3A_390 = tpu.memref_slice %arg8[%rem3A_352, %dma_wait3A_389] : memref<4x128xi32, #tpu.memory_space<vmem>> -> memref<1x128xi32, #tpu.memory_space<vmem>>
      %dma_wait3A_391 = tpu.memref_squeeze %dma_wait3A_390 : memref<1x128xi32, #tpu.memory_space<vmem>> -> memref<128xi32, #tpu.memory_space<vmem>>
      %dma_wait3A_392 = arith.constant 0 : i32
      %dma_wait3A_393 = arith.constant 0 : i32
      %dma_wait3A_394 = tpu.memref_slice %arg3[%dma_wait3A_392, %dma_wait3A_393] : memref<2600000x16xf32, #tpu.memory_space<hbm>> -> memref<2600000x16xf32, #tpu.memory_space<hbm>>
      tpu.wait_indirect_dma semaphore(%arg14 : memref<!tpu.dma_semaphore, #tpu.memory_space<semaphore_mem>>) src(%dma_wait3A_394 : memref<2600000x16xf32, #tpu.memory_space<hbm>>) dst(%dma_wait3A_388 : memref<128x16xf32, #tpu.memory_space<vmem>>)
      %get3A_395 = arith.index_cast %select_n3A : i32 to index
      %get3A_396 = arith.index_cast %mul3A_385 : i32 to index
      %get3A_397 = tpu.vector_load %arg7[%get3A_395, %get3A_396] {strides = array<i32>} : memref<27x128xi32, #tpu.memory_space<vmem>>, vector<16xi32>,
      %and3A_398 = arith.constant 15 : i32
      %and3A_399 = vector.broadcast %and3A_398 : i32 to vector<16xi32>
      %and3A_400 = arith.andi %get3A_397, %and3A_399 : vector<16xi32>
      %broadcast_in_dim3A = vector.broadcast %rem3A_352 : i32 to vector<16xi32>
      %add3A_401 = arith.constant 0 : i32
      %add3A_402 = vector.broadcast %add3A_401 : i32 to vector<16xi32>
      %add3A_403 = arith.addi %add3A_402, %iota3A : vector<16xi32>
      %slice3A_404 = vector.extract_strided_slice %and3A_400 {offsets = [0], sizes = [1], strides = [1]} : vector<16xi32> to vector<1xi32>
      %squeeze3A_405 = vector.extract %slice3A_404[0] : i32 from vector<1xi32>
      %broadcast_in_dim3A_406 = vector.broadcast %squeeze3A_405 : i32 to vector<16xi32>
      %gather3A = tpu.vector_load_idx %arg10[%broadcast_in_dim3A, %add3A_403, %broadcast_in_dim3A_406] : memref<4x128x16xf32, #tpu.memory_space<vmem>>[vector<16xi32>, vector<16xi32>, vector<16xi32>], vector<16xf32>,
      %mul3A_407 = arith.constant 128 : i32
      %mul3A_408 = arith.muli %select_n3A, %mul3A_407 : i32
      %add3A_409 = arith.addi %mul3A_408, %mul3A_385 : i32
      %add3A_410 = arith.constant 0 : i32
      %add3A_411 = arith.addi %add3A_409, %add3A_410 : i32
      %jit3A_412 = arith.constant 8 : i32
      %div3A_413 = arith.divsi %add3A_411, %jit3A_412 : i32
      %sign3A_414 = arith.constant 0 : i32
      %sign3A_415 = arith.cmpi sgt, %add3A_411, %sign3A_414 : i32
      %sign3A_416 = arith.extui %sign3A_415 : i1 to i32
      %sign3A_417 = arith.constant 0 : i32
      %sign3A_418 = arith.cmpi slt, %add3A_411, %sign3A_417 : i32
      %sign3A_419 = arith.extui %sign3A_418 : i1 to i32
      %sign3A_420 = arith.subi %sign3A_416, %sign3A_419 : i32
      %sign3A_421 = arith.constant 0 : i32
      %sign3A_422 = arith.cmpi sgt, %jit3A_412, %sign3A_421 : i32
      %sign3A_423 = arith.extui %sign3A_422 : i1 to i32
      %sign3A_424 = arith.constant 0 : i32
      %sign3A_425 = arith.cmpi slt, %jit3A_412, %sign3A_424 : i32
      %sign3A_426 = arith.extui %sign3A_425 : i1 to i32
      %sign3A_427 = arith.subi %sign3A_423, %sign3A_426 : i32
      %ne3A_428 = arith.cmpi ne, %sign3A_420, %sign3A_427 : i32
      %rem3A_429 = arith.remsi %add3A_411, %jit3A_412 : i32
      %ne3A_430 = arith.constant 0 : i32
      %ne3A_431 = arith.cmpi ne, %rem3A_429, %ne3A_430 : i32
      %and3A_432 = arith.andi %ne3A_428, %ne3A_431 : i1
      %sub3A_433 = arith.constant 1 : i32
      %sub3A_434 = arith.subi %div3A_413, %sub3A_433 : i32
      %select_n3A_435 = arith.select %and3A_432, %sub3A_434, %div3A_413 : i32
      %jit3A_436 = arith.constant 8 : i32
      %eq3A_437 = arith.constant 0 : i32
      %eq3A_438 = arith.cmpi eq, %jit3A_436, %eq3A_437 : i32
      %jit3A_439 = arith.constant 1 : i32
      %select_n3A_440 = arith.select %eq3A_438, %jit3A_439, %jit3A_436 : i32
      %rem3A_441 = arith.remsi %add3A_411, %select_n3A_440 : i32
      %ne3A_442 = arith.constant 0 : i32
      %ne3A_443 = arith.cmpi ne, %rem3A_441, %ne3A_442 : i32
      %lt3A_444 = arith.constant 0 : i32
      %lt3A_445 = arith.cmpi slt, %rem3A_441, %lt3A_444 : i32
      %lt3A_446 = arith.constant 0 : i32
      %lt3A_447 = arith.cmpi slt, %select_n3A_440, %lt3A_446 : i32
      %ne3A_448 = arith.xori %lt3A_445, %lt3A_447 : i1
      %and3A_449 = arith.andi %ne3A_448, %ne3A_443 : i1
      %add3A_450 = arith.addi %rem3A_441, %select_n3A_440 : i32
      %select_n3A_451 = arith.select %and3A_449, %add3A_450, %rem3A_441 : i32
      %mul3A_452 = arith.constant 16 : i32
      %mul3A_453 = arith.muli %select_n3A_451, %mul3A_452 : i32
      %swap3A_454 = arith.index_cast %select_n3A_435 : i32 to index
      %swap3A_455 = arith.index_cast %mul3A_453 : i32 to index
      %swap3A_456 = tpu.vector_load %arg12[%swap3A_454, %swap3A_455] {strides = array<i32>} : memref<416x128xf32, #tpu.memory_space<vmem>>, vector<16xf32>,
      tpu.vector_store %arg12[%swap3A_454, %swap3A_455], %gather3A {strides = array<i32>} : memref<416x128xf32, #tpu.memory_space<vmem>>, vector<16xf32>,
      %broadcast_in_dim3A_457 = vector.broadcast %rem3A_352 : i32 to vector<16xi32>
      %add3A_458 = arith.constant 16 : i32
      %add3A_459 = vector.broadcast %add3A_458 : i32 to vector<16xi32>
      %add3A_460 = arith.addi %add3A_459, %iota3A : vector<16xi32>
      %slice3A_461 = vector.extract_strided_slice %and3A_400 {offsets = [1], sizes = [1], strides = [1]} : vector<16xi32> to vector<1xi32>
      %squeeze3A_462 = vector.extract %slice3A_461[0] : i32 from vector<1xi32>
      %broadcast_in_dim3A_463 = vector.broadcast %squeeze3A_462 : i32 to vector<16xi32>
      %gather3A_464 = tpu.vector_load_idx %arg10[%broadcast_in_dim3A_457, %add3A_460, %broadcast_in_dim3A_463] : memref<4x128x16xf32, #tpu.memory_space<vmem>>[vector<16xi32>, vector<16xi32>, vector<16xi32>], vector<16xf32>,
      %mul3A_465 = arith.constant 128 : i32
      %mul3A_466 = arith.muli %select_n3A, %mul3A_465 : i32
      %add3A_467 = arith.addi %mul3A_466, %mul3A_385 : i32
      %add3A_468 = arith.constant 1 : i32
      %add3A_469 = arith.addi %add3A_467, %add3A_468 : i32
      %jit3A_470 = arith.constant 8 : i32
      %div3A_471 = arith.divsi %add3A_469, %jit3A_470 : i32
      %sign3A_472 = arith.constant 0 : i32
      %sign3A_473 = arith.cmpi sgt, %add3A_469, %sign3A_472 : i32
      %sign3A_474 = arith.extui %sign3A_473 : i1 to i32
      %sign3A_475 = arith.constant 0 : i32
      %sign3A_476 = arith.cmpi slt, %add3A_469, %sign3A_475 : i32
      %sign3A_477 = arith.extui %sign3A_476 : i1 to i32
      %sign3A_478 = arith.subi %sign3A_474, %sign3A_477 : i32
      %sign3A_479 = arith.constant 0 : i32
      %sign3A_480 = arith.cmpi sgt, %jit3A_470, %sign3A_479 : i32
      %sign3A_481 = arith.extui %sign3A_480 : i1 to i32
      %sign3A_482 = arith.constant 0 : i32
      %sign3A_483 = arith.cmpi slt, %jit3A_470, %sign3A_482 : i32
      %sign3A_484 = arith.extui %sign3A_483 : i1 to i32
      %sign3A_485 = arith.subi %sign3A_481, %sign3A_484 : i32
      %ne3A_486 = arith.cmpi ne, %sign3A_478, %sign3A_485 : i32
      %rem3A_487 = arith.remsi %add3A_469, %jit3A_470 : i32
      %ne3A_488 = arith.constant 0 : i32
      %ne3A_489 = arith.cmpi ne, %rem3A_487, %ne3A_488 : i32
      %and3A_490 = arith.andi %ne3A_486, %ne3A_489 : i1
      %sub3A_491 = arith.constant 1 : i32
      %sub3A_492 = arith.subi %div3A_471, %sub3A_491 : i32
      %select_n3A_493 = arith.select %and3A_490, %sub3A_492, %div3A_471 : i32
      %jit3A_494 = arith.constant 8 : i32
      %eq3A_495 = arith.constant 0 : i32
      %eq3A_496 = arith.cmpi eq, %jit3A_494, %eq3A_495 : i32
      %jit3A_497 = arith.constant 1 : i32
      %select_n3A_498 = arith.select %eq3A_496, %jit3A_497, %jit3A_494 : i32
      %rem3A_499 = arith.remsi %add3A_469, %select_n3A_498 : i32
      %ne3A_500 = arith.constant 0 : i32
      %ne3A_501 = arith.cmpi ne, %rem3A_499, %ne3A_500 : i32
      %lt3A_502 = arith.constant 0 : i32
      %lt3A_503 = arith.cmpi slt, %rem3A_499, %lt3A_502 : i32
      %lt3A_504 = arith.constant 0 : i32
      %lt3A_505 = arith.cmpi slt, %select_n3A_498, %lt3A_504 : i32
      %ne3A_506 = arith.xori %lt3A_503, %lt3A_505 : i1
      %and3A_507 = arith.andi %ne3A_506, %ne3A_501 : i1
      %add3A_508 = arith.addi %rem3A_499, %select_n3A_498 : i32
      %select_n3A_509 = arith.select %and3A_507, %add3A_508, %rem3A_499 : i32
      %mul3A_510 = arith.constant 16 : i32
      %mul3A_511 = arith.muli %select_n3A_509, %mul3A_510 : i32
      %swap3A_512 = arith.index_cast %select_n3A_493 : i32 to index
      %swap3A_513 = arith.index_cast %mul3A_511 : i32 to index
      %swap3A_514 = tpu.vector_load %arg12[%swap3A_512, %swap3A_513] {strides = array<i32>} : memref<416x128xf32, #tpu.memory_space<vmem>>, vector<16xf32>,
      tpu.vector_store %arg12[%swap3A_512, %swap3A_513], %gather3A_464 {strides = array<i32>} : memref<416x128xf32, #tpu.memory_space<vmem>>, vector<16xf32>,
      %broadcast_in_dim3A_515 = vector.broadcast %rem3A_352 : i32 to vector<16xi32>
      %add3A_516 = arith.constant 32 : i32
      %add3A_517 = vector.broadcast %add3A_516 : i32 to vector<16xi32>
      %add3A_518 = arith.addi %add3A_517, %iota3A : vector<16xi32>
      %slice3A_519 = vector.extract_strided_slice %and3A_400 {offsets = [2], sizes = [1], strides = [1]} : vector<16xi32> to vector<1xi32>
      %squeeze3A_520 = vector.extract %slice3A_519[0] : i32 from vector<1xi32>
      %broadcast_in_dim3A_521 = vector.broadcast %squeeze3A_520 : i32 to vector<16xi32>
      %gather3A_522 = tpu.vector_load_idx %arg10[%broadcast_in_dim3A_515, %add3A_518, %broadcast_in_dim3A_521] : memref<4x128x16xf32, #tpu.memory_space<vmem>>[vector<16xi32>, vector<16xi32>, vector<16xi32>], vector<16xf32>,
      %mul3A_523 = arith.constant 128 : i32
      %mul3A_524 = arith.muli %select_n3A, %mul3A_523 : i32
      %add3A_525 = arith.addi %mul3A_524, %mul3A_385 : i32
      %add3A_526 = arith.constant 2 : i32
      %add3A_527 = arith.addi %add3A_525, %add3A_526 : i32
      %jit3A_528 = arith.constant 8 : i32
      %div3A_529 = arith.divsi %add3A_527, %jit3A_528 : i32
      %sign3A_530 = arith.constant 0 : i32
      %sign3A_531 = arith.cmpi sgt, %add3A_527, %sign3A_530 : i32
      %sign3A_532 = arith.extui %sign3A_531 : i1 to i32
      %sign3A_533 = arith.constant 0 : i32
      %sign3A_534 = arith.cmpi slt, %add3A_527, %sign3A_533 : i32
      %sign3A_535 = arith.extui %sign3A_534 : i1 to i32
      %sign3A_536 = arith.subi %sign3A_532, %sign3A_535 : i32
      %sign3A_537 = arith.constant 0 : i32
      %sign3A_538 = arith.cmpi sgt, %jit3A_528, %sign3A_537 : i32
      %sign3A_539 = arith.extui %sign3A_538 : i1 to i32
      %sign3A_540 = arith.constant 0 : i32
      %sign3A_541 = arith.cmpi slt, %jit3A_528, %sign3A_540 : i32
      %sign3A_542 = arith.extui %sign3A_541 : i1 to i32
      %sign3A_543 = arith.subi %sign3A_539, %sign3A_542 : i32
      %ne3A_544 = arith.cmpi ne, %sign3A_536, %sign3A_543 : i32
      %rem3A_545 = arith.remsi %add3A_527, %jit3A_528 : i32
      %ne3A_546 = arith.constant 0 : i32
      %ne3A_547 = arith.cmpi ne, %rem3A_545, %ne3A_546 : i32
      %and3A_548 = arith.andi %ne3A_544, %ne3A_547 : i1
      %sub3A_549 = arith.constant 1 : i32
      %sub3A_550 = arith.subi %div3A_529, %sub3A_549 : i32
      %select_n3A_551 = arith.select %and3A_548, %sub3A_550, %div3A_529 : i32
      %jit3A_552 = arith.constant 8 : i32
      %eq3A_553 = arith.constant 0 : i32
      %eq3A_554 = arith.cmpi eq, %jit3A_552, %eq3A_553 : i32
      %jit3A_555 = arith.constant 1 : i32
      %select_n3A_556 = arith.select %eq3A_554, %jit3A_555, %jit3A_552 : i32
      %rem3A_557 = arith.remsi %add3A_527, %select_n3A_556 : i32
      %ne3A_558 = arith.constant 0 : i32
      %ne3A_559 = arith.cmpi ne, %rem3A_557, %ne3A_558 : i32
      %lt3A_560 = arith.constant 0 : i32
      %lt3A_561 = arith.cmpi slt, %rem3A_557, %lt3A_560 : i32
      %lt3A_562 = arith.constant 0 : i32
      %lt3A_563 = arith.cmpi slt, %select_n3A_556, %lt3A_562 : i32
      %ne3A_564 = arith.xori %lt3A_561, %lt3A_563 : i1
      %and3A_565 = arith.andi %ne3A_564, %ne3A_559 : i1
      %add3A_566 = arith.addi %rem3A_557, %select_n3A_556 : i32
      %select_n3A_567 = arith.select %and3A_565, %add3A_566, %rem3A_557 : i32
      %mul3A_568 = arith.constant 16 : i32
      %mul3A_569 = arith.muli %select_n3A_567, %mul3A_568 : i32
      %swap3A_570 = arith.index_cast %select_n3A_551 : i32 to index
      %swap3A_571 = arith.index_cast %mul3A_569 : i32 to index
      %swap3A_572 = tpu.vector_load %arg12[%swap3A_570, %swap3A_571] {strides = array<i32>} : memref<416x128xf32, #tpu.memory_space<vmem>>, vector<16xf32>,
      tpu.vector_store %arg12[%swap3A_570, %swap3A_571], %gather3A_522 {strides = array<i32>} : memref<416x128xf32, #tpu.memory_space<vmem>>, vector<16xf32>,
      %broadcast_in_dim3A_573 = vector.broadcast %rem3A_352 : i32 to vector<16xi32>
      %add3A_574 = arith.constant 48 : i32
      %add3A_575 = vector.broadcast %add3A_574 : i32 to vector<16xi32>
      %add3A_576 = arith.addi %add3A_575, %iota3A : vector<16xi32>
      %slice3A_577 = vector.extract_strided_slice %and3A_400 {offsets = [3], sizes = [1], strides = [1]} : vector<16xi32> to vector<1xi32>
      %squeeze3A_578 = vector.extract %slice3A_577[0] : i32 from vector<1xi32>
      %broadcast_in_dim3A_579 = vector.broadcast %squeeze3A_578 : i32 to vector<16xi32>
      %gather3A_580 = tpu.vector_load_idx %arg10[%broadcast_in_dim3A_573, %add3A_576, %broadcast_in_dim3A_579] : memref<4x128x16xf32, #tpu.memory_space<vmem>>[vector<16xi32>, vector<16xi32>, vector<16xi32>], vector<16xf32>,
      %mul3A_581 = arith.constant 128 : i32
      %mul3A_582 = arith.muli %select_n3A, %mul3A_581 : i32
      %add3A_583 = arith.addi %mul3A_582, %mul3A_385 : i32
      %add3A_584 = arith.constant 3 : i32
      %add3A_585 = arith.addi %add3A_583, %add3A_584 : i32
      %jit3A_586 = arith.constant 8 : i32
      %div3A_587 = arith.divsi %add3A_585, %jit3A_586 : i32
      %sign3A_588 = arith.constant 0 : i32
      %sign3A_589 = arith.cmpi sgt, %add3A_585, %sign3A_588 : i32
      %sign3A_590 = arith.extui %sign3A_589 : i1 to i32
      %sign3A_591 = arith.constant 0 : i32
      %sign3A_592 = arith.cmpi slt, %add3A_585, %sign3A_591 : i32
      %sign3A_593 = arith.extui %sign3A_592 : i1 to i32
      %sign3A_594 = arith.subi %sign3A_590, %sign3A_593 : i32
      %sign3A_595 = arith.constant 0 : i32
      %sign3A_596 = arith.cmpi sgt, %jit3A_586, %sign3A_595 : i32
      %sign3A_597 = arith.extui %sign3A_596 : i1 to i32
      %sign3A_598 = arith.constant 0 : i32
      %sign3A_599 = arith.cmpi slt, %jit3A_586, %sign3A_598 : i32
      %sign3A_600 = arith.extui %sign3A_599 : i1 to i32
      %sign3A_601 = arith.subi %sign3A_597, %sign3A_600 : i32
      %ne3A_602 = arith.cmpi ne, %sign3A_594, %sign3A_601 : i32
      %rem3A_603 = arith.remsi %add3A_585, %jit3A_586 : i32
      %ne3A_604 = arith.constant 0 : i32
      %ne3A_605 = arith.cmpi ne, %rem3A_603, %ne3A_604 : i32
      %and3A_606 = arith.andi %ne3A_602, %ne3A_605 : i1
      %sub3A_607 = arith.constant 1 : i32
      %sub3A_608 = arith.subi %div3A_587, %sub3A_607 : i32
      %select_n3A_609 = arith.select %and3A_606, %sub3A_608, %div3A_587 : i32
      %jit3A_610 = arith.constant 8 : i32
      %eq3A_611 = arith.constant 0 : i32
      %eq3A_612 = arith.cmpi eq, %jit3A_610, %eq3A_611 : i32
      %jit3A_613 = arith.constant 1 : i32
      %select_n3A_614 = arith.select %eq3A_612, %jit3A_613, %jit3A_610 : i32
      %rem3A_615 = arith.remsi %add3A_585, %select_n3A_614 : i32
      %ne3A_616 = arith.constant 0 : i32
      %ne3A_617 = arith.cmpi ne, %rem3A_615, %ne3A_616 : i32
      %lt3A_618 = arith.constant 0 : i32
      %lt3A_619 = arith.cmpi slt, %rem3A_615, %lt3A_618 : i32
      %lt3A_620 = arith.constant 0 : i32
      %lt3A_621 = arith.cmpi slt, %select_n3A_614, %lt3A_620 : i32
      %ne3A_622 = arith.xori %lt3A_619, %lt3A_621 : i1
      %and3A_623 = arith.andi %ne3A_622, %ne3A_617 : i1
      %add3A_624 = arith.addi %rem3A_615, %select_n3A_614 : i32
      %select_n3A_625 = arith.select %and3A_623, %add3A_624, %rem3A_615 : i32
      %mul3A_626 = arith.constant 16 : i32
      %mul3A_627 = arith.muli %select_n3A_625, %mul3A_626 : i32
      %swap3A_628 = arith.index_cast %select_n3A_609 : i32 to index
      %swap3A_629 = arith.index_cast %mul3A_627 : i32 to index
      %swap3A_630 = tpu.vector_load %arg12[%swap3A_628, %swap3A_629] {strides = array<i32>} : memref<416x128xf32, #tpu.memory_space<vmem>>, vector<16xf32>,
      tpu.vector_store %arg12[%swap3A_628, %swap3A_629], %gather3A_580 {strides = array<i32>} : memref<416x128xf32, #tpu.memory_space<vmem>>, vector<16xf32>,
      %broadcast_in_dim3A_631 = vector.broadcast %rem3A_352 : i32 to vector<16xi32>
      %add3A_632 = arith.constant 64 : i32
      %add3A_633 = vector.broadcast %add3A_632 : i32 to vector<16xi32>
      %add3A_634 = arith.addi %add3A_633, %iota3A : vector<16xi32>
      %slice3A_635 = vector.extract_strided_slice %and3A_400 {offsets = [4], sizes = [1], strides = [1]} : vector<16xi32> to vector<1xi32>
      %squeeze3A_636 = vector.extract %slice3A_635[0] : i32 from vector<1xi32>
      %broadcast_in_dim3A_637 = vector.broadcast %squeeze3A_636 : i32 to vector<16xi32>
      %gather3A_638 = tpu.vector_load_idx %arg10[%broadcast_in_dim3A_631, %add3A_634, %broadcast_in_dim3A_637] : memref<4x128x16xf32, #tpu.memory_space<vmem>>[vector<16xi32>, vector<16xi32>, vector<16xi32>], vector<16xf32>,
      %mul3A_639 = arith.constant 128 : i32
      %mul3A_640 = arith.muli %select_n3A, %mul3A_639 : i32
      %add3A_641 = arith.addi %mul3A_640, %mul3A_385 : i32
      %add3A_642 = arith.constant 4 : i32
      %add3A_643 = arith.addi %add3A_641, %add3A_642 : i32
      %jit3A_644 = arith.constant 8 : i32
      %div3A_645 = arith.divsi %add3A_643, %jit3A_644 : i32
      %sign3A_646 = arith.constant 0 : i32
      %sign3A_647 = arith.cmpi sgt, %add3A_643, %sign3A_646 : i32
      %sign3A_648 = arith.extui %sign3A_647 : i1 to i32
      %sign3A_649 = arith.constant 0 : i32
      %sign3A_650 = arith.cmpi slt, %add3A_643, %sign3A_649 : i32
      %sign3A_651 = arith.extui %sign3A_650 : i1 to i32
      %sign3A_652 = arith.subi %sign3A_648, %sign3A_651 : i32
      %sign3A_653 = arith.constant 0 : i32
      %sign3A_654 = arith.cmpi sgt, %jit3A_644, %sign3A_653 : i32
      %sign3A_655 = arith.extui %sign3A_654 : i1 to i32
      %sign3A_656 = arith.constant 0 : i32
      %sign3A_657 = arith.cmpi slt, %jit3A_644, %sign3A_656 : i32
      %sign3A_658 = arith.extui %sign3A_657 : i1 to i32
      %sign3A_659 = arith.subi %sign3A_655, %sign3A_658 : i32
      %ne3A_660 = arith.cmpi ne, %sign3A_652, %sign3A_659 : i32
      %rem3A_661 = arith.remsi %add3A_643, %jit3A_644 : i32
      %ne3A_662 = arith.constant 0 : i32
      %ne3A_663 = arith.cmpi ne, %rem3A_661, %ne3A_662 : i32
      %and3A_664 = arith.andi %ne3A_660, %ne3A_663 : i1
      %sub3A_665 = arith.constant 1 : i32
      %sub3A_666 = arith.subi %div3A_645, %sub3A_665 : i32
      %select_n3A_667 = arith.select %and3A_664, %sub3A_666, %div3A_645 : i32
      %jit3A_668 = arith.constant 8 : i32
      %eq3A_669 = arith.constant 0 : i32
      %eq3A_670 = arith.cmpi eq, %jit3A_668, %eq3A_669 : i32
      %jit3A_671 = arith.constant 1 : i32
      %select_n3A_672 = arith.select %eq3A_670, %jit3A_671, %jit3A_668 : i32
      %rem3A_673 = arith.remsi %add3A_643, %select_n3A_672 : i32
      %ne3A_674 = arith.constant 0 : i32
      %ne3A_675 = arith.cmpi ne, %rem3A_673, %ne3A_674 : i32
      %lt3A_676 = arith.constant 0 : i32
      %lt3A_677 = arith.cmpi slt, %rem3A_673, %lt3A_676 : i32
      %lt3A_678 = arith.constant 0 : i32
      %lt3A_679 = arith.cmpi slt, %select_n3A_672, %lt3A_678 : i32
      %ne3A_680 = arith.xori %lt3A_677, %lt3A_679 : i1
      %and3A_681 = arith.andi %ne3A_680, %ne3A_675 : i1
      %add3A_682 = arith.addi %rem3A_673, %select_n3A_672 : i32
      %select_n3A_683 = arith.select %and3A_681, %add3A_682, %rem3A_673 : i32
      %mul3A_684 = arith.constant 16 : i32
      %mul3A_685 = arith.muli %select_n3A_683, %mul3A_684 : i32
      %swap3A_686 = arith.index_cast %select_n3A_667 : i32 to index
      %swap3A_687 = arith.index_cast %mul3A_685 : i32 to index
      %swap3A_688 = tpu.vector_load %arg12[%swap3A_686, %swap3A_687] {strides = array<i32>} : memref<416x128xf32, #tpu.memory_space<vmem>>, vector<16xf32>,
      tpu.vector_store %arg12[%swap3A_686, %swap3A_687], %gather3A_638 {strides = array<i32>} : memref<416x128xf32, #tpu.memory_space<vmem>>, vector<16xf32>,
      %broadcast_in_dim3A_689 = vector.broadcast %rem3A_352 : i32 to vector<16xi32>
      %add3A_690 = arith.constant 80 : i32
      %add3A_691 = vector.broadcast %add3A_690 : i32 to vector<16xi32>
      %add3A_692 = arith.addi %add3A_691, %iota3A : vector<16xi32>
      %slice3A_693 = vector.extract_strided_slice %and3A_400 {offsets = [5], sizes = [1], strides = [1]} : vector<16xi32> to vector<1xi32>
      %squeeze3A_694 = vector.extract %slice3A_693[0] : i32 from vector<1xi32>
      %broadcast_in_dim3A_695 = vector.broadcast %squeeze3A_694 : i32 to vector<16xi32>
      %gather3A_696 = tpu.vector_load_idx %arg10[%broadcast_in_dim3A_689, %add3A_692, %broadcast_in_dim3A_695] : memref<4x128x16xf32, #tpu.memory_space<vmem>>[vector<16xi32>, vector<16xi32>, vector<16xi32>], vector<16xf32>,
      %mul3A_697 = arith.constant 128 : i32
      %mul3A_698 = arith.muli %select_n3A, %mul3A_697 : i32
      %add3A_699 = arith.addi %mul3A_698, %mul3A_385 : i32
      %add3A_700 = arith.constant 5 : i32
      %add3A_701 = arith.addi %add3A_699, %add3A_700 : i32
      %jit3A_702 = arith.constant 8 : i32
      %div3A_703 = arith.divsi %add3A_701, %jit3A_702 : i32
      %sign3A_704 = arith.constant 0 : i32
      %sign3A_705 = arith.cmpi sgt, %add3A_701, %sign3A_704 : i32
      %sign3A_706 = arith.extui %sign3A_705 : i1 to i32
      %sign3A_707 = arith.constant 0 : i32
      %sign3A_708 = arith.cmpi slt, %add3A_701, %sign3A_707 : i32
      %sign3A_709 = arith.extui %sign3A_708 : i1 to i32
      %sign3A_710 = arith.subi %sign3A_706, %sign3A_709 : i32
      %sign3A_711 = arith.constant 0 : i32
      %sign3A_712 = arith.cmpi sgt, %jit3A_702, %sign3A_711 : i32
      %sign3A_713 = arith.extui %sign3A_712 : i1 to i32
      %sign3A_714 = arith.constant 0 : i32
      %sign3A_715 = arith.cmpi slt, %jit3A_702, %sign3A_714 : i32
      %sign3A_716 = arith.extui %sign3A_715 : i1 to i32
      %sign3A_717 = arith.subi %sign3A_713, %sign3A_716 : i32
      %ne3A_718 = arith.cmpi ne, %sign3A_710, %sign3A_717 : i32
      %rem3A_719 = arith.remsi %add3A_701, %jit3A_702 : i32
      %ne3A_720 = arith.constant 0 : i32
      %ne3A_721 = arith.cmpi ne, %rem3A_719, %ne3A_720 : i32
      %and3A_722 = arith.andi %ne3A_718, %ne3A_721 : i1
      %sub3A_723 = arith.constant 1 : i32
      %sub3A_724 = arith.subi %div3A_703, %sub3A_723 : i32
      %select_n3A_725 = arith.select %and3A_722, %sub3A_724, %div3A_703 : i32
      %jit3A_726 = arith.constant 8 : i32
      %eq3A_727 = arith.constant 0 : i32
      %eq3A_728 = arith.cmpi eq, %jit3A_726, %eq3A_727 : i32
      %jit3A_729 = arith.constant 1 : i32
      %select_n3A_730 = arith.select %eq3A_728, %jit3A_729, %jit3A_726 : i32
      %rem3A_731 = arith.remsi %add3A_701, %select_n3A_730 : i32
      %ne3A_732 = arith.constant 0 : i32
      %ne3A_733 = arith.cmpi ne, %rem3A_731, %ne3A_732 : i32
      %lt3A_734 = arith.constant 0 : i32
      %lt3A_735 = arith.cmpi slt, %rem3A_731, %lt3A_734 : i32
      %lt3A_736 = arith.constant 0 : i32
      %lt3A_737 = arith.cmpi slt, %select_n3A_730, %lt3A_736 : i32
      %ne3A_738 = arith.xori %lt3A_735, %lt3A_737 : i1
      %and3A_739 = arith.andi %ne3A_738, %ne3A_733 : i1
      %add3A_740 = arith.addi %rem3A_731, %select_n3A_730 : i32
      %select_n3A_741 = arith.select %and3A_739, %add3A_740, %rem3A_731 : i32
      %mul3A_742 = arith.constant 16 : i32
      %mul3A_743 = arith.muli %select_n3A_741, %mul3A_742 : i32
      %swap3A_744 = arith.index_cast %select_n3A_725 : i32 to index
      %swap3A_745 = arith.index_cast %mul3A_743 : i32 to index
      %swap3A_746 = tpu.vector_load %arg12[%swap3A_744, %swap3A_745] {strides = array<i32>} : memref<416x128xf32, #tpu.memory_space<vmem>>, vector<16xf32>,
      tpu.vector_store %arg12[%swap3A_744, %swap3A_745], %gather3A_696 {strides = array<i32>} : memref<416x128xf32, #tpu.memory_space<vmem>>, vector<16xf32>,
      %broadcast_in_dim3A_747 = vector.broadcast %rem3A_352 : i32 to vector<16xi32>
      %add3A_748 = arith.constant 96 : i32
      %add3A_749 = vector.broadcast %add3A_748 : i32 to vector<16xi32>
      %add3A_750 = arith.addi %add3A_749, %iota3A : vector<16xi32>
      %slice3A_751 = vector.extract_strided_slice %and3A_400 {offsets = [6], sizes = [1], strides = [1]} : vector<16xi32> to vector<1xi32>
      %squeeze3A_752 = vector.extract %slice3A_751[0] : i32 from vector<1xi32>
      %broadcast_in_dim3A_753 = vector.broadcast %squeeze3A_752 : i32 to vector<16xi32>
      %gather3A_754 = tpu.vector_load_idx %arg10[%broadcast_in_dim3A_747, %add3A_750, %broadcast_in_dim3A_753] : memref<4x128x16xf32, #tpu.memory_space<vmem>>[vector<16xi32>, vector<16xi32>, vector<16xi32>], vector<16xf32>,
      %mul3A_755 = arith.constant 128 : i32
      %mul3A_756 = arith.muli %select_n3A, %mul3A_755 : i32
      %add3A_757 = arith.addi %mul3A_756, %mul3A_385 : i32
      %add3A_758 = arith.constant 6 : i32
      %add3A_759 = arith.addi %add3A_757, %add3A_758 : i32
      %jit3A_760 = arith.constant 8 : i32
      %div3A_761 = arith.divsi %add3A_759, %jit3A_760 : i32
      %sign3A_762 = arith.constant 0 : i32
      %sign3A_763 = arith.cmpi sgt, %add3A_759, %sign3A_762 : i32
      %sign3A_764 = arith.extui %sign3A_763 : i1 to i32
      %sign3A_765 = arith.constant 0 : i32
      %sign3A_766 = arith.cmpi slt, %add3A_759, %sign3A_765 : i32
      %sign3A_767 = arith.extui %sign3A_766 : i1 to i32
      %sign3A_768 = arith.subi %sign3A_764, %sign3A_767 : i32
      %sign3A_769 = arith.constant 0 : i32
      %sign3A_770 = arith.cmpi sgt, %jit3A_760, %sign3A_769 : i32
      %sign3A_771 = arith.extui %sign3A_770 : i1 to i32
      %sign3A_772 = arith.constant 0 : i32
      %sign3A_773 = arith.cmpi slt, %jit3A_760, %sign3A_772 : i32
      %sign3A_774 = arith.extui %sign3A_773 : i1 to i32
      %sign3A_775 = arith.subi %sign3A_771, %sign3A_774 : i32
      %ne3A_776 = arith.cmpi ne, %sign3A_768, %sign3A_775 : i32
      %rem3A_777 = arith.remsi %add3A_759, %jit3A_760 : i32
      %ne3A_778 = arith.constant 0 : i32
      %ne3A_779 = arith.cmpi ne, %rem3A_777, %ne3A_778 : i32
      %and3A_780 = arith.andi %ne3A_776, %ne3A_779 : i1
      %sub3A_781 = arith.constant 1 : i32
      %sub3A_782 = arith.subi %div3A_761, %sub3A_781 : i32
      %select_n3A_783 = arith.select %and3A_780, %sub3A_782, %div3A_761 : i32
      %jit3A_784 = arith.constant 8 : i32
      %eq3A_785 = arith.constant 0 : i32
      %eq3A_786 = arith.cmpi eq, %jit3A_784, %eq3A_785 : i32
      %jit3A_787 = arith.constant 1 : i32
      %select_n3A_788 = arith.select %eq3A_786, %jit3A_787, %jit3A_784 : i32
      %rem3A_789 = arith.remsi %add3A_759, %select_n3A_788 : i32
      %ne3A_790 = arith.constant 0 : i32
      %ne3A_791 = arith.cmpi ne, %rem3A_789, %ne3A_790 : i32
      %lt3A_792 = arith.constant 0 : i32
      %lt3A_793 = arith.cmpi slt, %rem3A_789, %lt3A_792 : i32
      %lt3A_794 = arith.constant 0 : i32
      %lt3A_795 = arith.cmpi slt, %select_n3A_788, %lt3A_794 : i32
      %ne3A_796 = arith.xori %lt3A_793, %lt3A_795 : i1
      %and3A_797 = arith.andi %ne3A_796, %ne3A_791 : i1
      %add3A_798 = arith.addi %rem3A_789, %select_n3A_788 : i32
      %select_n3A_799 = arith.select %and3A_797, %add3A_798, %rem3A_789 : i32
      %mul3A_800 = arith.constant 16 : i32
      %mul3A_801 = arith.muli %select_n3A_799, %mul3A_800 : i32
      %swap3A_802 = arith.index_cast %select_n3A_783 : i32 to index
      %swap3A_803 = arith.index_cast %mul3A_801 : i32 to index
      %swap3A_804 = tpu.vector_load %arg12[%swap3A_802, %swap3A_803] {strides = array<i32>} : memref<416x128xf32, #tpu.memory_space<vmem>>, vector<16xf32>,
      tpu.vector_store %arg12[%swap3A_802, %swap3A_803], %gather3A_754 {strides = array<i32>} : memref<416x128xf32, #tpu.memory_space<vmem>>, vector<16xf32>,
      %broadcast_in_dim3A_805 = vector.broadcast %rem3A_352 : i32 to vector<16xi32>
      %add3A_806 = arith.constant 112 : i32
      %add3A_807 = vector.broadcast %add3A_806 : i32 to vector<16xi32>
      %add3A_808 = arith.addi %add3A_807, %iota3A : vector<16xi32>
      %slice3A_809 = vector.extract_strided_slice %and3A_400 {offsets = [7], sizes = [1], strides = [1]} : vector<16xi32> to vector<1xi32>
      %squeeze3A_810 = vector.extract %slice3A_809[0] : i32 from vector<1xi32>
      %broadcast_in_dim3A_811 = vector.broadcast %squeeze3A_810 : i32 to vector<16xi32>
      %gather3A_812 = tpu.vector_load_idx %arg10[%broadcast_in_dim3A_805, %add3A_808, %broadcast_in_dim3A_811] : memref<4x128x16xf32, #tpu.memory_space<vmem>>[vector<16xi32>, vector<16xi32>, vector<16xi32>], vector<16xf32>,
      %mul3A_813 = arith.constant 128 : i32
      %mul3A_814 = arith.muli %select_n3A, %mul3A_813 : i32
      %add3A_815 = arith.addi %mul3A_814, %mul3A_385 : i32
      %add3A_816 = arith.constant 7 : i32
      %add3A_817 = arith.addi %add3A_815, %add3A_816 : i32
      %jit3A_818 = arith.constant 8 : i32
      %div3A_819 = arith.divsi %add3A_817, %jit3A_818 : i32
      %sign3A_820 = arith.constant 0 : i32
      %sign3A_821 = arith.cmpi sgt, %add3A_817, %sign3A_820 : i32
      %sign3A_822 = arith.extui %sign3A_821 : i1 to i32
      %sign3A_823 = arith.constant 0 : i32
      %sign3A_824 = arith.cmpi slt, %add3A_817, %sign3A_823 : i32
      %sign3A_825 = arith.extui %sign3A_824 : i1 to i32
      %sign3A_826 = arith.subi %sign3A_822, %sign3A_825 : i32
      %sign3A_827 = arith.constant 0 : i32
      %sign3A_828 = arith.cmpi sgt, %jit3A_818, %sign3A_827 : i32
      %sign3A_829 = arith.extui %sign3A_828 : i1 to i32
      %sign3A_830 = arith.constant 0 : i32
      %sign3A_831 = arith.cmpi slt, %jit3A_818, %sign3A_830 : i32
      %sign3A_832 = arith.extui %sign3A_831 : i1 to i32
      %sign3A_833 = arith.subi %sign3A_829, %sign3A_832 : i32
      %ne3A_834 = arith.cmpi ne, %sign3A_826, %sign3A_833 : i32
      %rem3A_835 = arith.remsi %add3A_817, %jit3A_818 : i32
      %ne3A_836 = arith.constant 0 : i32
      %ne3A_837 = arith.cmpi ne, %rem3A_835, %ne3A_836 : i32
      %and3A_838 = arith.andi %ne3A_834, %ne3A_837 : i1
      %sub3A_839 = arith.constant 1 : i32
      %sub3A_840 = arith.subi %div3A_819, %sub3A_839 : i32
      %select_n3A_841 = arith.select %and3A_838, %sub3A_840, %div3A_819 : i32
      %jit3A_842 = arith.constant 8 : i32
      %eq3A_843 = arith.constant 0 : i32
      %eq3A_844 = arith.cmpi eq, %jit3A_842, %eq3A_843 : i32
      %jit3A_845 = arith.constant 1 : i32
      %select_n3A_846 = arith.select %eq3A_844, %jit3A_845, %jit3A_842 : i32
      %rem3A_847 = arith.remsi %add3A_817, %select_n3A_846 : i32
      %ne3A_848 = arith.constant 0 : i32
      %ne3A_849 = arith.cmpi ne, %rem3A_847, %ne3A_848 : i32
      %lt3A_850 = arith.constant 0 : i32
      %lt3A_851 = arith.cmpi slt, %rem3A_847, %lt3A_850 : i32
      %lt3A_852 = arith.constant 0 : i32
      %lt3A_853 = arith.cmpi slt, %select_n3A_846, %lt3A_852 : i32
      %ne3A_854 = arith.xori %lt3A_851, %lt3A_853 : i1
      %and3A_855 = arith.andi %ne3A_854, %ne3A_849 : i1
      %add3A_856 = arith.addi %rem3A_847, %select_n3A_846 : i32
      %select_n3A_857 = arith.select %and3A_855, %add3A_856, %rem3A_847 : i32
      %mul3A_858 = arith.constant 16 : i32
      %mul3A_859 = arith.muli %select_n3A_857, %mul3A_858 : i32
      %swap3A_860 = arith.index_cast %select_n3A_841 : i32 to index
      %swap3A_861 = arith.index_cast %mul3A_859 : i32 to index
      %swap3A_862 = tpu.vector_load %arg12[%swap3A_860, %swap3A_861] {strides = array<i32>} : memref<416x128xf32, #tpu.memory_space<vmem>>, vector<16xf32>,
      tpu.vector_store %arg12[%swap3A_860, %swap3A_861], %gather3A_812 {strides = array<i32>} : memref<416x128xf32, #tpu.memory_space<vmem>>, vector<16xf32>,
      %add3A_863 = arith.constant 4 : i32
      %add3A_864 = arith.addi %scan3A_349, %add3A_863 : i32
      %lt3A_865 = arith.constant 416 : i32
      %lt3A_866 = arith.cmpi slt, %add3A_864, %lt3A_865 : i32
      %convert_element_type3A = arith.extui %lt3A_866 : i1 to i32
      %cond3A = arith.constant 0 : i32
      %cond3A_867 = arith.cmpi ne, %convert_element_type3A, %cond3A : i32
      scf.if %cond3A_867 {
        %add3A_869 = arith.constant 4 : i32
        %add3A_870 = arith.addi %scan3A_349, %add3A_869 : i32
        %rem3A_871 = arith.constant 4 : i32
        %rem3A_872 = arith.remsi %add3A_870, %rem3A_871 : i32
        %jit3A_873 = arith.constant 16 : i32
        %div3A_874 = arith.divsi %add3A_870, %jit3A_873 : i32
        %sign3A_875 = arith.constant 0 : i32
        %sign3A_876 = arith.cmpi sgt, %add3A_870, %sign3A_875 : i32
        %sign3A_877 = arith.extui %sign3A_876 : i1 to i32
        %sign3A_878 = arith.constant 0 : i32
        %sign3A_879 = arith.cmpi slt, %add3A_870, %sign3A_878 : i32
        %sign3A_880 = arith.extui %sign3A_879 : i1 to i32
        %sign3A_881 = arith.subi %sign3A_877, %sign3A_880 : i32
        %sign3A_882 = arith.constant 0 : i32
        %sign3A_883 = arith.cmpi sgt, %jit3A_873, %sign3A_882 : i32
        %sign3A_884 = arith.extui %sign3A_883 : i1 to i32
        %sign3A_885 = arith.constant 0 : i32
        %sign3A_886 = arith.cmpi slt, %jit3A_873, %sign3A_885 : i32
        %sign3A_887 = arith.extui %sign3A_886 : i1 to i32
        %sign3A_888 = arith.subi %sign3A_884, %sign3A_887 : i32
        %ne3A_889 = arith.cmpi ne, %sign3A_881, %sign3A_888 : i32
        %rem3A_890 = arith.remsi %add3A_870, %jit3A_873 : i32
        %ne3A_891 = arith.constant 0 : i32
        %ne3A_892 = arith.cmpi ne, %rem3A_890, %ne3A_891 : i32
        %and3A_893 = arith.andi %ne3A_889, %ne3A_892 : i1
        %sub3A_894 = arith.constant 1 : i32
        %sub3A_895 = arith.subi %div3A_874, %sub3A_894 : i32
        %select_n3A_896 = arith.select %and3A_893, %sub3A_895, %div3A_874 : i32
        %jit3A_897 = arith.constant 16 : i32
        %eq3A_898 = arith.constant 0 : i32
        %eq3A_899 = arith.cmpi eq, %jit3A_897, %eq3A_898 : i32
        %jit3A_900 = arith.constant 1 : i32
        %select_n3A_901 = arith.select %eq3A_899, %jit3A_900, %jit3A_897 : i32
        %rem3A_902 = arith.remsi %add3A_870, %select_n3A_901 : i32
        %ne3A_903 = arith.constant 0 : i32
        %ne3A_904 = arith.cmpi ne, %rem3A_902, %ne3A_903 : i32
        %lt3A_905 = arith.constant 0 : i32
        %lt3A_906 = arith.cmpi slt, %rem3A_902, %lt3A_905 : i32
        %lt3A_907 = arith.constant 0 : i32
        %lt3A_908 = arith.cmpi slt, %select_n3A_901, %lt3A_907 : i32
        %ne3A_909 = arith.xori %lt3A_906, %lt3A_908 : i1
        %and3A_910 = arith.andi %ne3A_909, %ne3A_904 : i1
        %add3A_911 = arith.addi %rem3A_902, %select_n3A_901 : i32
        %select_n3A_912 = arith.select %and3A_910, %add3A_911, %rem3A_902 : i32
        %mul3A_913 = arith.constant 8 : i32
        %mul3A_914 = arith.muli %select_n3A_912, %mul3A_913 : i32
        %get3A_915 = arith.index_cast %select_n3A_896 : i32 to index
        %get3A_916 = arith.index_cast %mul3A_914 : i32 to index
        %get3A_917 = tpu.vector_load %arg7[%get3A_915, %get3A_916] {strides = array<i32>} : memref<27x128xi32, #tpu.memory_space<vmem>>, vector<16xi32>,
        %mul3A_918 = arith.constant 100000 : i32
        %mul3A_919 = arith.muli %select_n3A_896, %mul3A_918 : i32
        %shift_right_logical3A_920 = arith.constant 4 : i32
        %shift_right_logical3A_921 = vector.broadcast %shift_right_logical3A_920 : i32 to vector<16xi32>
        %shift_right_logical3A_922 = arith.shrui %get3A_917, %shift_right_logical3A_921 : vector<16xi32>
        %add3A_923 = vector.broadcast %mul3A_919 : i32 to vector<16xi32>
        %add3A_924 = arith.addi %add3A_923, %shift_right_logical3A_922 : vector<16xi32>
        %slice3A_925 = vector.extract_strided_slice %add3A_924 {offsets = [0], sizes = [1], strides = [1]} : vector<16xi32> to vector<1xi32>
        %squeeze3A_926 = vector.extract %slice3A_925[0] : i32 from vector<1xi32>
        %add3A_927 = vector.broadcast %squeeze3A_926 : i32 to vector<16xi32>
        %add3A_928 = arith.addi %add3A_927, %mul3A_18 : vector<16xi32>
        %swap3A_929 = arith.index_cast %rem3A_872 : i32 to index
        %swap3A_930 = arith.constant 0 : index
        %swap3A_931 = tpu.vector_load %arg8[%swap3A_929, %swap3A_930] {strides = array<i32>} : memref<4x128xi32, #tpu.memory_space<vmem>>, vector<16xi32>,
        tpu.vector_store %arg8[%swap3A_929, %swap3A_930], %add3A_928 {strides = array<i32>} : memref<4x128xi32, #tpu.memory_space<vmem>>, vector<16xi32>,
        %slice3A_932 = vector.extract_strided_slice %add3A_924 {offsets = [1], sizes = [1], strides = [1]} : vector<16xi32> to vector<1xi32>
        %squeeze3A_933 = vector.extract %slice3A_932[0] : i32 from vector<1xi32>
        %add3A_934 = vector.broadcast %squeeze3A_933 : i32 to vector<16xi32>
        %add3A_935 = arith.addi %add3A_934, %mul3A_18 : vector<16xi32>
        %swap3A_936 = arith.index_cast %rem3A_872 : i32 to index
        %swap3A_937 = arith.constant 16 : index
        %swap3A_938 = tpu.vector_load %arg8[%swap3A_936, %swap3A_937] {strides = array<i32>} : memref<4x128xi32, #tpu.memory_space<vmem>>, vector<16xi32>,
        tpu.vector_store %arg8[%swap3A_936, %swap3A_937], %add3A_935 {strides = array<i32>} : memref<4x128xi32, #tpu.memory_space<vmem>>, vector<16xi32>,
        %slice3A_939 = vector.extract_strided_slice %add3A_924 {offsets = [2], sizes = [1], strides = [1]} : vector<16xi32> to vector<1xi32>
        %squeeze3A_940 = vector.extract %slice3A_939[0] : i32 from vector<1xi32>
        %add3A_941 = vector.broadcast %squeeze3A_940 : i32 to vector<16xi32>
        %add3A_942 = arith.addi %add3A_941, %mul3A_18 : vector<16xi32>
        %swap3A_943 = arith.index_cast %rem3A_872 : i32 to index
        %swap3A_944 = arith.constant 32 : index
        %swap3A_945 = tpu.vector_load %arg8[%swap3A_943, %swap3A_944] {strides = array<i32>} : memref<4x128xi32, #tpu.memory_space<vmem>>, vector<16xi32>,
        tpu.vector_store %arg8[%swap3A_943, %swap3A_944], %add3A_942 {strides = array<i32>} : memref<4x128xi32, #tpu.memory_space<vmem>>, vector<16xi32>,
        %slice3A_946 = vector.extract_strided_slice %add3A_924 {offsets = [3], sizes = [1], strides = [1]} : vector<16xi32> to vector<1xi32>
        %squeeze3A_947 = vector.extract %slice3A_946[0] : i32 from vector<1xi32>
        %add3A_948 = vector.broadcast %squeeze3A_947 : i32 to vector<16xi32>
        %add3A_949 = arith.addi %add3A_948, %mul3A_18 : vector<16xi32>
        %swap3A_950 = arith.index_cast %rem3A_872 : i32 to index
        %swap3A_951 = arith.constant 48 : index
        %swap3A_952 = tpu.vector_load %arg8[%swap3A_950, %swap3A_951] {strides = array<i32>} : memref<4x128xi32, #tpu.memory_space<vmem>>, vector<16xi32>,
        tpu.vector_store %arg8[%swap3A_950, %swap3A_951], %add3A_949 {strides = array<i32>} : memref<4x128xi32, #tpu.memory_space<vmem>>, vector<16xi32>,
        %slice3A_953 = vector.extract_strided_slice %add3A_924 {offsets = [4], sizes = [1], strides = [1]} : vector<16xi32> to vector<1xi32>
        %squeeze3A_954 = vector.extract %slice3A_953[0] : i32 from vector<1xi32>
        %add3A_955 = vector.broadcast %squeeze3A_954 : i32 to vector<16xi32>
        %add3A_956 = arith.addi %add3A_955, %mul3A_18 : vector<16xi32>
        %swap3A_957 = arith.index_cast %rem3A_872 : i32 to index
        %swap3A_958 = arith.constant 64 : index
        %swap3A_959 = tpu.vector_load %arg8[%swap3A_957, %swap3A_958] {strides = array<i32>} : memref<4x128xi32, #tpu.memory_space<vmem>>, vector<16xi32>,
        tpu.vector_store %arg8[%swap3A_957, %swap3A_958], %add3A_956 {strides = array<i32>} : memref<4x128xi32, #tpu.memory_space<vmem>>, vector<16xi32>,
        %slice3A_960 = vector.extract_strided_slice %add3A_924 {offsets = [5], sizes = [1], strides = [1]} : vector<16xi32> to vector<1xi32>
        %squeeze3A_961 = vector.extract %slice3A_960[0] : i32 from vector<1xi32>
        %add3A_962 = vector.broadcast %squeeze3A_961 : i32 to vector<16xi32>
        %add3A_963 = arith.addi %add3A_962, %mul3A_18 : vector<16xi32>
        %swap3A_964 = arith.index_cast %rem3A_872 : i32 to index
        %swap3A_965 = arith.constant 80 : index
        %swap3A_966 = tpu.vector_load %arg8[%swap3A_964, %swap3A_965] {strides = array<i32>} : memref<4x128xi32, #tpu.memory_space<vmem>>, vector<16xi32>,
        tpu.vector_store %arg8[%swap3A_964, %swap3A_965], %add3A_963 {strides = array<i32>} : memref<4x128xi32, #tpu.memory_space<vmem>>, vector<16xi32>,
        %slice3A_967 = vector.extract_strided_slice %add3A_924 {offsets = [6], sizes = [1], strides = [1]} : vector<16xi32> to vector<1xi32>
        %squeeze3A_968 = vector.extract %slice3A_967[0] : i32 from vector<1xi32>
        %add3A_969 = vector.broadcast %squeeze3A_968 : i32 to vector<16xi32>
        %add3A_970 = arith.addi %add3A_969, %mul3A_18 : vector<16xi32>
        %swap3A_971 = arith.index_cast %rem3A_872 : i32 to index
        %swap3A_972 = arith.constant 96 : index
        %swap3A_973 = tpu.vector_load %arg8[%swap3A_971, %swap3A_972] {strides = array<i32>} : memref<4x128xi32, #tpu.memory_space<vmem>>, vector<16xi32>,
        tpu.vector_store %arg8[%swap3A_971, %swap3A_972], %add3A_970 {strides = array<i32>} : memref<4x128xi32, #tpu.memory_space<vmem>>, vector<16xi32>,
        %slice3A_974 = vector.extract_strided_slice %add3A_924 {offsets = [7], sizes = [1], strides = [1]} : vector<16xi32> to vector<1xi32>
        %squeeze3A_975 = vector.extract %slice3A_974[0] : i32 from vector<1xi32>
        %add3A_976 = vector.broadcast %squeeze3A_975 : i32 to vector<16xi32>
        %add3A_977 = arith.addi %add3A_976, %mul3A_18 : vector<16xi32>
        %swap3A_978 = arith.index_cast %rem3A_872 : i32 to index
        %swap3A_979 = arith.constant 112 : index
        %swap3A_980 = tpu.vector_load %arg8[%swap3A_978, %swap3A_979] {strides = array<i32>} : memref<4x128xi32, #tpu.memory_space<vmem>>, vector<16xi32>,
        tpu.vector_store %arg8[%swap3A_978, %swap3A_979], %add3A_977 {strides = array<i32>} : memref<4x128xi32, #tpu.memory_space<vmem>>, vector<16xi32>,
        %dma_start3A_981 = arith.constant 0 : i32
        %dma_start3A_982 = arith.constant 0 : i32
        %dma_start3A_983 = tpu.memref_slice %arg10[%rem3A_872, %dma_start3A_981, %dma_start3A_982] : memref<4x128x16xf32, #tpu.memory_space<vmem>> -> memref<1x128x16xf32, #tpu.memory_space<vmem>>
        %dma_start3A_984 = tpu.memref_squeeze %dma_start3A_983 : memref<1x128x16xf32, #tpu.memory_space<vmem>> -> memref<128x16xf32, #tpu.memory_space<vmem>>
        %dma_start3A_985 = arith.constant 0 : i32
        %dma_start3A_986 = tpu.memref_slice %arg8[%rem3A_872, %dma_start3A_985] : memref<4x128xi32, #tpu.memory_space<vmem>> -> memref<1x128xi32, #tpu.memory_space<vmem>>
        %dma_start3A_987 = tpu.memref_squeeze %dma_start3A_986 : memref<1x128xi32, #tpu.memory_space<vmem>> -> memref<128xi32, #tpu.memory_space<vmem>>
        %dma_start3A_988 = arith.constant 0 : i32
        %dma_start3A_989 = arith.constant 0 : i32
        %dma_start3A_990 = tpu.memref_slice %arg3[%dma_start3A_988, %dma_start3A_989] : memref<2600000x16xf32, #tpu.memory_space<hbm>> -> memref<2600000x16xf32, #tpu.memory_space<hbm>>
        tpu.enqueue_indirect_dma source(%dma_start3A_990 : memref<2600000x16xf32, #tpu.memory_space<hbm>>) target(%dma_start3A_984 : memref<128x16xf32, #tpu.memory_space<vmem>>) offsets(%dma_start3A_987 : memref<128xi32, #tpu.memory_space<vmem>>) semaphore(%arg14 : memref<!tpu.dma_semaphore, #tpu.memory_space<semaphore_mem>>)
      } else {
      }
      %scan3A_868 = arith.constant 0 : i32
      scf.yield %scan3A_868 : i32
    }
    %scan3A_334 = arith.constant 416 : i32
    %scan3A_335 = arith.constant 0 : i32
    %scan3A_336 = arith.constant 0 : i32
    %scan3A_337 = arith.constant 26 : i32
    %scan3A_338 = arith.addi %scan3A_336, %scan3A_337 : i32
    %scan3A_339 = arith.constant 1 : i32
    %scan3A_340 = scf.for %scan3A_349 = %scan3A_336 to %scan3A_338 step %scan3A_339 iter_args(%scan3A_350 = %scan3A_335) -> (i32)  : i32 {
      %dma_wait3A = arith.constant 0 : i32
      %dma_wait3A_351 = arith.constant 0 : i32
      %dma_wait3A_352 = tpu.memref_slice %arg11[%scan3A_349, %dma_wait3A, %dma_wait3A_351] : memref<26x128x16xf32, #tpu.memory_space<vmem>> -> memref<1x128x16xf32, #tpu.memory_space<vmem>>
      %dma_wait3A_353 = tpu.memref_squeeze %dma_wait3A_352 : memref<1x128x16xf32, #tpu.memory_space<vmem>> -> memref<128x16xf32, #tpu.memory_space<vmem>>
      %dma_wait3A_354 = arith.constant 0 : i32
      %dma_wait3A_355 = tpu.memref_slice %arg9[%scan3A_349, %dma_wait3A_354] : memref<26x128xi32, #tpu.memory_space<vmem>> -> memref<1x128xi32, #tpu.memory_space<vmem>>
      %dma_wait3A_356 = tpu.memref_squeeze %dma_wait3A_355 : memref<1x128xi32, #tpu.memory_space<vmem>> -> memref<128xi32, #tpu.memory_space<vmem>>
      %dma_wait3A_357 = arith.constant 0 : i32
      %dma_wait3A_358 = arith.constant 0 : i32
      %dma_wait3A_359 = tpu.memref_slice %arg4[%scan3A_349, %dma_wait3A_357, %dma_wait3A_358] : memref<26x6250x16xf32, #tpu.memory_space<hbm>> -> memref<1x6250x16xf32, #tpu.memory_space<hbm>>
      %dma_wait3A_360 = tpu.memref_squeeze %dma_wait3A_359 : memref<1x6250x16xf32, #tpu.memory_space<hbm>> -> memref<6250x16xf32, #tpu.memory_space<hbm>>
      %dma_wait3A_361 = arith.constant 0 : i32
      %dma_wait3A_362 = arith.constant 0 : i32
      %dma_wait3A_363 = tpu.memref_slice %dma_wait3A_360[%dma_wait3A_361, %dma_wait3A_362] : memref<6250x16xf32, #tpu.memory_space<hbm>> -> memref<6250x16xf32, #tpu.memory_space<hbm>>
      tpu.wait_indirect_dma semaphore(%arg15 : memref<!tpu.dma_semaphore, #tpu.memory_space<semaphore_mem>>) src(%dma_wait3A_363 : memref<6250x16xf32, #tpu.memory_space<hbm>>) dst(%dma_wait3A_353 : memref<128x16xf32, #tpu.memory_space<vmem>>)
      %scan3A_364 = arith.constant 0 : i32
      scf.yield %scan3A_364 : i32
    }
    %scan3A_341 = arith.constant 26 : i32
    %scan3A_342 = arith.constant 0 : i32
    %scan3A_343 = arith.constant 0 : i32
    %scan3A_344 = arith.constant 208 : i32
    %scan3A_345 = arith.addi %scan3A_343, %scan3A_344 : i32
    %scan3A_346 = arith.constant 1 : i32
    %scan3A_347 = scf.for %scan3A_349 = %scan3A_343 to %scan3A_345 step %scan3A_346 iter_args(%scan3A_350 = %scan3A_342) -> (i32)  : i32 {
      %jit3A = arith.constant 8 : i32
      %div3A = arith.divsi %scan3A_349, %jit3A : i32
      %sign3A = arith.constant 0 : i32
      %sign3A_351 = arith.cmpi sgt, %scan3A_349, %sign3A : i32
      %sign3A_352 = arith.extui %sign3A_351 : i1 to i32
      %sign3A_353 = arith.constant 0 : i32
      %sign3A_354 = arith.cmpi slt, %scan3A_349, %sign3A_353 : i32
      %sign3A_355 = arith.extui %sign3A_354 : i1 to i32
      %sign3A_356 = arith.subi %sign3A_352, %sign3A_355 : i32
      %sign3A_357 = arith.constant 0 : i32
      %sign3A_358 = arith.cmpi sgt, %jit3A, %sign3A_357 : i32
      %sign3A_359 = arith.extui %sign3A_358 : i1 to i32
      %sign3A_360 = arith.constant 0 : i32
      %sign3A_361 = arith.cmpi slt, %jit3A, %sign3A_360 : i32
      %sign3A_362 = arith.extui %sign3A_361 : i1 to i32
      %sign3A_363 = arith.subi %sign3A_359, %sign3A_362 : i32
      %ne3A = arith.cmpi ne, %sign3A_356, %sign3A_363 : i32
      %rem3A_364 = arith.remsi %scan3A_349, %jit3A : i32
      %ne3A_365 = arith.constant 0 : i32
      %ne3A_366 = arith.cmpi ne, %rem3A_364, %ne3A_365 : i32
      %and3A = arith.andi %ne3A, %ne3A_366 : i1
      %sub3A = arith.constant 1 : i32
      %sub3A_367 = arith.subi %div3A, %sub3A : i32
      %select_n3A = arith.select %and3A, %sub3A_367, %div3A : i32
      %jit3A_368 = arith.constant 8 : i32
      %eq3A = arith.constant 0 : i32
      %eq3A_369 = arith.cmpi eq, %jit3A_368, %eq3A : i32
      %jit3A_370 = arith.constant 1 : i32
      %select_n3A_371 = arith.select %eq3A_369, %jit3A_370, %jit3A_368 : i32
      %rem3A_372 = arith.remsi %scan3A_349, %select_n3A_371 : i32
      %ne3A_373 = arith.constant 0 : i32
      %ne3A_374 = arith.cmpi ne, %rem3A_372, %ne3A_373 : i32
      %lt3A = arith.constant 0 : i32
      %lt3A_375 = arith.cmpi slt, %rem3A_372, %lt3A : i32
      %lt3A_376 = arith.constant 0 : i32
      %lt3A_377 = arith.cmpi slt, %select_n3A_371, %lt3A_376 : i32
      %ne3A_378 = arith.xori %lt3A_375, %lt3A_377 : i1
      %and3A_379 = arith.andi %ne3A_378, %ne3A_374 : i1
      %add3A_380 = arith.addi %rem3A_372, %select_n3A_371 : i32
      %select_n3A_381 = arith.select %and3A_379, %add3A_380, %rem3A_372 : i32
      %mul3A_382 = arith.constant 16 : i32
      %mul3A_383 = arith.muli %select_n3A_381, %mul3A_382 : i32
      %add3A_384 = vector.broadcast %mul3A_383 : i32 to vector<16xi32>
      %add3A_385 = arith.addi %add3A_384, %iota3A : vector<16xi32>
      %get3A_386 = arith.index_cast %select_n3A : i32 to index
      %get3A_387 = arith.index_cast %mul3A_383 : i32 to index
      %get3A_388 = tpu.vector_load %arg7[%get3A_386, %get3A_387] {strides = array<i32>} : memref<27x128xi32, #tpu.memory_space<vmem>>, vector<16xi32>,
      %and3A_389 = arith.constant 15 : i32
      %and3A_390 = vector.broadcast %and3A_389 : i32 to vector<16xi32>
      %and3A_391 = arith.andi %get3A_388, %and3A_390 : vector<16xi32>
      %broadcast_in_dim3A = vector.broadcast %select_n3A : i32 to vector<16xi32>
      %gather3A = tpu.vector_load_idx %arg11[%broadcast_in_dim3A, %add3A_385, %and3A_391] : memref<26x128x16xf32, #tpu.memory_space<vmem>>[vector<16xi32>, vector<16xi32>, vector<16xi32>], vector<16xf32>,
      %swap3A_392 = arith.index_cast %select_n3A : i32 to index
      %swap3A_393 = arith.index_cast %mul3A_383 : i32 to index
      %swap3A_394 = tpu.vector_load %arg13[%swap3A_392, %swap3A_393] {strides = array<i32>} : memref<26x128xf32, #tpu.memory_space<vmem>>, vector<16xf32>,
      tpu.vector_store %arg13[%swap3A_392, %swap3A_393], %gather3A {strides = array<i32>} : memref<26x128xf32, #tpu.memory_space<vmem>>, vector<16xf32>,
      %scan3A_395 = arith.constant 0 : i32
      scf.yield %scan3A_395 : i32
    }
    %scan3A_348 = arith.constant 208 : i32
    "tpu.region"() ({
      %run_scoped3A = tpu.sem_alloc : memref<!tpu.dma_semaphore, #tpu.memory_space<semaphore_mem>>
      %dma_start3A_349 = arith.constant 0 : i32
      %dma_start3A_350 = arith.constant 0 : i32
      %dma_start3A_351 = tpu.memref_slice %arg5[%add3A, %dma_start3A_349, %dma_start3A_350] : memref<32x416x128xf32, #tpu.memory_space<hbm>> -> memref<1x416x128xf32, #tpu.memory_space<hbm>>
      %dma_start3A_352 = tpu.memref_squeeze %dma_start3A_351 : memref<1x416x128xf32, #tpu.memory_space<hbm>> -> memref<416x128xf32, #tpu.memory_space<hbm>>
      %dma_start3A_353 = arith.constant 0 : i32
      %dma_start3A_354 = arith.constant 0 : i32
      %dma_start3A_355 = tpu.memref_slice %arg5[%add3A, %dma_start3A_353, %dma_start3A_354] : memref<32x416x128xf32, #tpu.memory_space<hbm>> -> memref<1x416x128xf32, #tpu.memory_space<hbm>>
      %dma_start3A_356 = tpu.memref_squeeze %dma_start3A_355 : memref<1x416x128xf32, #tpu.memory_space<hbm>> -> memref<416x128xf32, #tpu.memory_space<hbm>>
      tpu.enqueue_dma source(%arg12 : memref<416x128xf32, #tpu.memory_space<vmem>>) target(%dma_start3A_356 : memref<416x128xf32, #tpu.memory_space<hbm>>) target_semaphore(%run_scoped3A : memref<!tpu.dma_semaphore, #tpu.memory_space<semaphore_mem>>)
      %dma_wait3A = arith.constant 0 : i32
      %dma_wait3A_357 = arith.constant 0 : i32
      %dma_wait3A_358 = tpu.memref_slice %arg5[%add3A, %dma_wait3A, %dma_wait3A_357] : memref<32x416x128xf32, #tpu.memory_space<hbm>> -> memref<1x416x128xf32, #tpu.memory_space<hbm>>
      %dma_wait3A_359 = tpu.memref_squeeze %dma_wait3A_358 : memref<1x416x128xf32, #tpu.memory_space<hbm>> -> memref<416x128xf32, #tpu.memory_space<hbm>>
      %dma_wait3A_360 = arith.constant 0 : i32
      %dma_wait3A_361 = arith.constant 0 : i32
      %dma_wait3A_362 = tpu.memref_slice %arg5[%add3A, %dma_wait3A_360, %dma_wait3A_361] : memref<32x416x128xf32, #tpu.memory_space<hbm>> -> memref<1x416x128xf32, #tpu.memory_space<hbm>>
      %dma_wait3A_363 = tpu.memref_squeeze %dma_wait3A_362 : memref<1x416x128xf32, #tpu.memory_space<hbm>> -> memref<416x128xf32, #tpu.memory_space<hbm>>
      tpu.wait_dma2 semaphore(%run_scoped3A : memref<!tpu.dma_semaphore, #tpu.memory_space<semaphore_mem>>) src(%arg12 : memref<416x128xf32, #tpu.memory_space<vmem>>) dst(%dma_wait3A_363 : memref<416x128xf32, #tpu.memory_space<hbm>>)
      tpu.yield
    }) : () -> ()
    "tpu.region"() ({
      %run_scoped3A = tpu.sem_alloc : memref<!tpu.dma_semaphore, #tpu.memory_space<semaphore_mem>>
      %dma_start3A_349 = arith.constant 0 : i32
      %dma_start3A_350 = arith.constant 0 : i32
      %dma_start3A_351 = tpu.memref_slice %arg6[%add3A, %dma_start3A_349, %dma_start3A_350] : memref<32x26x128xf32, #tpu.memory_space<hbm>> -> memref<1x26x128xf32, #tpu.memory_space<hbm>>
      %dma_start3A_352 = tpu.memref_squeeze %dma_start3A_351 : memref<1x26x128xf32, #tpu.memory_space<hbm>> -> memref<26x128xf32, #tpu.memory_space<hbm>>
      %dma_start3A_353 = arith.constant 0 : i32
      %dma_start3A_354 = arith.constant 0 : i32
      %dma_start3A_355 = tpu.memref_slice %arg6[%add3A, %dma_start3A_353, %dma_start3A_354] : memref<32x26x128xf32, #tpu.memory_space<hbm>> -> memref<1x26x128xf32, #tpu.memory_space<hbm>>
      %dma_start3A_356 = tpu.memref_squeeze %dma_start3A_355 : memref<1x26x128xf32, #tpu.memory_space<hbm>> -> memref<26x128xf32, #tpu.memory_space<hbm>>
      tpu.enqueue_dma source(%arg13 : memref<26x128xf32, #tpu.memory_space<vmem>>) target(%dma_start3A_356 : memref<26x128xf32, #tpu.memory_space<hbm>>) target_semaphore(%run_scoped3A : memref<!tpu.dma_semaphore, #tpu.memory_space<semaphore_mem>>)
      %dma_wait3A = arith.constant 0 : i32
      %dma_wait3A_357 = arith.constant 0 : i32
      %dma_wait3A_358 = tpu.memref_slice %arg6[%add3A, %dma_wait3A, %dma_wait3A_357] : memref<32x26x128xf32, #tpu.memory_space<hbm>> -> memref<1x26x128xf32, #tpu.memory_space<hbm>>
      %dma_wait3A_359 = tpu.memref_squeeze %dma_wait3A_358 : memref<1x26x128xf32, #tpu.memory_space<hbm>> -> memref<26x128xf32, #tpu.memory_space<hbm>>
      %dma_wait3A_360 = arith.constant 0 : i32
      %dma_wait3A_361 = arith.constant 0 : i32
      %dma_wait3A_362 = tpu.memref_slice %arg6[%add3A, %dma_wait3A_360, %dma_wait3A_361] : memref<32x26x128xf32, #tpu.memory_space<hbm>> -> memref<1x26x128xf32, #tpu.memory_space<hbm>>
      %dma_wait3A_363 = tpu.memref_squeeze %dma_wait3A_362 : memref<1x26x128xf32, #tpu.memory_space<hbm>> -> memref<26x128xf32, #tpu.memory_space<hbm>>
      tpu.wait_dma2 semaphore(%run_scoped3A : memref<!tpu.dma_semaphore, #tpu.memory_space<semaphore_mem>>) src(%arg13 : memref<26x128xf32, #tpu.memory_space<vmem>>) dst(%dma_wait3A_363 : memref<26x128xf32, #tpu.memory_space<hbm>>)
      tpu.yield
    }) : () -> ()
    return
  }
}

module attributes {stable_mosaic.version = 14 : i64} {
  func.func @_tc_body(%arg0: i32, %arg1: i32, %arg2: memref<1024x416xf32, #tpu.memory_space<vmem>>, %arg3: memref<1024x26xf32, #tpu.memory_space<vmem>>, %arg4: memref<26x1xf32, #tpu.memory_space<vmem>>, %arg5: memref<416x512xf32, #tpu.memory_space<vmem>>, %arg6: memref<1x512xf32, #tpu.memory_space<vmem>>, %arg7: memref<512x256xf32, #tpu.memory_space<vmem>>, %arg8: memref<1x256xf32, #tpu.memory_space<vmem>>, %arg9: memref<256x1xf32, #tpu.memory_space<vmem>>, %arg10: memref<1x1xf32, #tpu.memory_space<vmem>>, %arg11: memref<1024x1xf32, #tpu.memory_space<vmem>>, %arg12: memref<1x416xf32, #tpu.memory_space<vmem>>, %arg13: memref<1x416xf32, #tpu.memory_space<vmem>>) attributes {dimension_semantics = [#tpu.dimension_semantics<arbitrary>, #tpu.dimension_semantics<arbitrary>], iteration_bounds = array<i64: 2, 4>, scalar_prefetch = 0 : i64, scratch_operands = 2 : i64, tpu.core_type = #tpu.core_type<tc>, window_params = [{transform_indices = @transform_0, window_bounds = array<i64: 1024, 416>}, {transform_indices = @transform_1, window_bounds = array<i64: 1024, 26>}, {pipeline_mode = #tpu.pipeline_mode<synchronous>, transform_indices = @transform_2, window_bounds = array<i64: 26, 1>}, {pipeline_mode = #tpu.pipeline_mode<synchronous>, transform_indices = @transform_3, window_bounds = array<i64: 416, 512>}, {pipeline_mode = #tpu.pipeline_mode<synchronous>, transform_indices = @transform_4, window_bounds = array<i64: 1, 512>}, {pipeline_mode = #tpu.pipeline_mode<synchronous>, transform_indices = @transform_5, window_bounds = array<i64: 512, 256>}, {pipeline_mode = #tpu.pipeline_mode<synchronous>, transform_indices = @transform_6, window_bounds = array<i64: 1, 256>}, {pipeline_mode = #tpu.pipeline_mode<synchronous>, transform_indices = @transform_7, window_bounds = array<i64: 256, 1>}, {pipeline_mode = #tpu.pipeline_mode<synchronous>, transform_indices = @transform_8, window_bounds = array<i64: 1, 1>}, {transform_indices = @transform_9, window_bounds = array<i64: 1024, 1>}]} {
    %eq3A = arith.constant 0 : i32
    %eq3A_0 = arith.cmpi eq, %arg0, %eq3A : i32
    %eq3A_1 = arith.constant 0 : i32
    %eq3A_2 = arith.cmpi eq, %arg1, %eq3A_1 : i32
    %and3A = arith.andi %eq3A_0, %eq3A_2 : i1
    %convert_element_type3A = arith.extui %and3A : i1 to i32
    %cond3A = arith.constant 0 : i32
    %cond3A_3 = arith.cmpi ne, %convert_element_type3A, %cond3A : i32
    scf.if %cond3A_3 {
      %broadcast_in_dim3A = arith.constant 0.000000e+00 : f32
      %broadcast_in_dim3A_14 = vector.broadcast %broadcast_in_dim3A : f32 to vector<1x416xf32>
      %swap3A = arith.constant 0 : index
      %swap3A_15 = arith.constant 0 : index
      %swap3A_16 = vector.load %arg12[%swap3A, %swap3A_15] : memref<1x416xf32, #tpu.memory_space<vmem>>, vector<1x416xf32>
      tpu.vector_store %arg12[%swap3A, %swap3A_15], %broadcast_in_dim3A_14 {strides = array<i32>} : memref<1x416xf32, #tpu.memory_space<vmem>>, vector<1x416xf32>,
      %broadcast_in_dim3A_17 = arith.constant 0.000000e+00 : f32
      %broadcast_in_dim3A_18 = vector.broadcast %broadcast_in_dim3A_17 : f32 to vector<1x416xf32>
      %swap3A_19 = arith.constant 0 : index
      %swap3A_20 = arith.constant 0 : index
      %swap3A_21 = vector.load %arg13[%swap3A_19, %swap3A_20] : memref<1x416xf32, #tpu.memory_space<vmem>>, vector<1x416xf32>
      tpu.vector_store %arg13[%swap3A_19, %swap3A_20], %broadcast_in_dim3A_18 {strides = array<i32>} : memref<1x416xf32, #tpu.memory_space<vmem>>, vector<1x416xf32>,
    } else {
    }
    %eq3A_4 = arith.constant 0 : i32
    %eq3A_5 = arith.cmpi eq, %arg0, %eq3A_4 : i32
    %convert_element_type3A_6 = arith.extui %eq3A_5 : i1 to i32
    %cond3A_7 = arith.constant 0 : i32
    %cond3A_8 = arith.cmpi ne, %convert_element_type3A_6, %cond3A_7 : i32
    scf.if %cond3A_8 {
      %get3A = arith.constant 0 : index
      %get3A_14 = arith.constant 0 : index
      %get3A_15 = vector.load %arg2[%get3A, %get3A_14] : memref<1024x416xf32, #tpu.memory_space<vmem>>, vector<1024x416xf32>
      %get3A_16 = arith.constant 0 : index
      %get3A_17 = arith.constant 0 : index
      %get3A_18 = vector.load %arg12[%get3A_16, %get3A_17] : memref<1x416xf32, #tpu.memory_space<vmem>>, vector<1x416xf32>
      %reduce_sum3A = arith.constant dense<0.000000e+00> : vector<416xf32>
      %reduce_sum3A_19 = vector.multi_reduction <add>, %get3A_15, %reduce_sum3A [0] : vector<1024x416xf32> to vector<416xf32>
      %broadcast_in_dim3A = vector.shape_cast %reduce_sum3A_19 : vector<416xf32> to vector<1x416xf32>
      %add3A = arith.addf %get3A_18, %broadcast_in_dim3A : vector<1x416xf32>
      %swap3A = arith.constant 0 : index
      %swap3A_20 = arith.constant 0 : index
      %swap3A_21 = vector.load %arg12[%swap3A, %swap3A_20] : memref<1x416xf32, #tpu.memory_space<vmem>>, vector<1x416xf32>
      tpu.vector_store %arg12[%swap3A, %swap3A_20], %add3A {strides = array<i32>} : memref<1x416xf32, #tpu.memory_space<vmem>>, vector<1x416xf32>,
      %get3A_22 = arith.constant 0 : index
      %get3A_23 = arith.constant 0 : index
      %get3A_24 = vector.load %arg13[%get3A_22, %get3A_23] : memref<1x416xf32, #tpu.memory_space<vmem>>, vector<1x416xf32>
      %mul3A = arith.mulf %get3A_15, %get3A_15 : vector<1024x416xf32>
      %reduce_sum3A_25 = arith.constant dense<0.000000e+00> : vector<416xf32>
      %reduce_sum3A_26 = vector.multi_reduction <add>, %mul3A, %reduce_sum3A_25 [0] : vector<1024x416xf32> to vector<416xf32>
      %broadcast_in_dim3A_27 = vector.shape_cast %reduce_sum3A_26 : vector<416xf32> to vector<1x416xf32>
      %add3A_28 = arith.addf %get3A_24, %broadcast_in_dim3A_27 : vector<1x416xf32>
      %swap3A_29 = arith.constant 0 : index
      %swap3A_30 = arith.constant 0 : index
      %swap3A_31 = vector.load %arg13[%swap3A_29, %swap3A_30] : memref<1x416xf32, #tpu.memory_space<vmem>>, vector<1x416xf32>
      tpu.vector_store %arg13[%swap3A_29, %swap3A_30], %add3A_28 {strides = array<i32>} : memref<1x416xf32, #tpu.memory_space<vmem>>, vector<1x416xf32>,
      %broadcast_in_dim3A_32 = arith.constant 0.000000e+00 : f32
      %broadcast_in_dim3A_33 = vector.broadcast %broadcast_in_dim3A_32 : f32 to vector<1024x1xf32>
      %swap3A_34 = arith.constant 0 : index
      %swap3A_35 = arith.constant 0 : index
      %swap3A_36 = vector.load %arg11[%swap3A_34, %swap3A_35] : memref<1024x1xf32, #tpu.memory_space<vmem>>, vector<1024x1xf32>
      tpu.vector_store %arg11[%swap3A_34, %swap3A_35], %broadcast_in_dim3A_33 {strides = array<i32>} : memref<1024x1xf32, #tpu.memory_space<vmem>>, vector<1024x1xf32>,
    } else {
    }
    %eq3A_9 = arith.constant 1 : i32
    %eq3A_10 = arith.cmpi eq, %arg0, %eq3A_9 : i32
    %convert_element_type3A_11 = arith.extui %eq3A_10 : i1 to i32
    %cond3A_12 = arith.constant 0 : i32
    %cond3A_13 = arith.cmpi ne, %convert_element_type3A_11, %cond3A_12 : i32
    scf.if %cond3A_13 {
      %get3A = arith.constant 0 : index
      %get3A_14 = arith.constant 0 : index
      %get3A_15 = vector.load %arg12[%get3A, %get3A_14] : memref<1x416xf32, #tpu.memory_space<vmem>>, vector<1x416xf32>
      %mul3A = arith.constant 2.44140625E-4 : f32
      %mul3A_16 = vector.broadcast %mul3A : f32 to vector<1x416xf32>
      %mul3A_17 = arith.mulf %get3A_15, %mul3A_16 : vector<1x416xf32>
      %get3A_18 = arith.constant 0 : index
      %get3A_19 = arith.constant 0 : index
      %get3A_20 = vector.load %arg13[%get3A_18, %get3A_19] : memref<1x416xf32, #tpu.memory_space<vmem>>, vector<1x416xf32>
      %mul3A_21 = arith.constant 2.44140625E-4 : f32
      %mul3A_22 = vector.broadcast %mul3A_21 : f32 to vector<1x416xf32>
      %mul3A_23 = arith.mulf %get3A_20, %mul3A_22 : vector<1x416xf32>
      %mul3A_24 = arith.mulf %mul3A_17, %mul3A_17 : vector<1x416xf32>
      %sub3A = arith.subf %mul3A_23, %mul3A_24 : vector<1x416xf32>
      %get3A_25 = arith.constant 0 : index
      %get3A_26 = arith.constant 0 : index
      %get3A_27 = vector.load %arg4[%get3A_25, %get3A_26] : memref<26x1xf32, #tpu.memory_space<vmem>>, vector<26x1xf32>
      %div3A = arith.constant 5.000000e-01 : f32
      %div3A_28 = vector.broadcast %div3A : f32 to vector<26x1xf32>
      %div3A_29 = arith.divf %get3A_27, %div3A_28 : vector<26x1xf32>
      %reduce_max3A = vector.shape_cast %div3A_29 : vector<26x1xf32> to vector<1x26x1xf32>
      %reduce_max3A_30 = arith.constant dense<0xFF800000> : vector<1xf32>
      %reduce_max3A_31 = vector.multi_reduction <maximumf>, %reduce_max3A, %reduce_max3A_30 [1, 2] : vector<1x26x1xf32> to vector<1xf32>
      %reduce_max3A_32 = vector.shape_cast %reduce_max3A_31 : vector<1xf32> to vector<1x1x1xf32>
      %reduce_max3A_33 = vector.extract %reduce_max3A_32[0, 0, 0] : f32 from vector<1x1x1xf32>
      %sub3A_34 = vector.broadcast %reduce_max3A_33 : f32 to vector<26x1xf32>
      %sub3A_35 = arith.subf %div3A_29, %sub3A_34 : vector<26x1xf32>
      %exp3A = math.exp %sub3A_35 : vector<26x1xf32>
      %reduce_sum3A = vector.shape_cast %exp3A : vector<26x1xf32> to vector<1x26x1xf32>
      %reduce_sum3A_36 = arith.constant dense<0.000000e+00> : vector<1xf32>
      %reduce_sum3A_37 = vector.multi_reduction <add>, %reduce_sum3A, %reduce_sum3A_36 [1, 2] : vector<1x26x1xf32> to vector<1xf32>
      %reduce_sum3A_38 = vector.shape_cast %reduce_sum3A_37 : vector<1xf32> to vector<1x1x1xf32>
      %reduce_sum3A_39 = vector.extract %reduce_sum3A_38[0, 0, 0] : f32 from vector<1x1x1xf32>
      %div3A_40 = vector.broadcast %reduce_sum3A_39 : f32 to vector<26x1xf32>
      %div3A_41 = arith.divf %exp3A, %div3A_40 : vector<26x1xf32>
      %iota3A = tpu.iota {dimensions = array<i32: 1>} : vector<26x416xi32>
      %jit3A = arith.constant 16 : i32
      %div3A_42 = vector.broadcast %jit3A : i32 to vector<26x416xi32>
      %div3A_43 = arith.divsi %iota3A, %div3A_42 : vector<26x416xi32>
      %sign3A = arith.constant 0 : i32
      %sign3A_44 = vector.broadcast %sign3A : i32 to vector<26x416xi32>
      %sign3A_45 = arith.cmpi sgt, %iota3A, %sign3A_44 : vector<26x416xi32>
      %sign3A_46 = arith.extui %sign3A_45 : vector<26x416xi1> to vector<26x416xi32>
      %sign3A_47 = arith.constant 0 : i32
      %sign3A_48 = vector.broadcast %sign3A_47 : i32 to vector<26x416xi32>
      %sign3A_49 = arith.cmpi slt, %iota3A, %sign3A_48 : vector<26x416xi32>
      %sign3A_50 = arith.extui %sign3A_49 : vector<26x416xi1> to vector<26x416xi32>
      %sign3A_51 = arith.subi %sign3A_46, %sign3A_50 : vector<26x416xi32>
      %sign3A_52 = arith.constant 0 : i32
      %sign3A_53 = arith.cmpi sgt, %jit3A, %sign3A_52 : i32
      %sign3A_54 = arith.extui %sign3A_53 : i1 to i32
      %sign3A_55 = arith.constant 0 : i32
      %sign3A_56 = arith.cmpi slt, %jit3A, %sign3A_55 : i32
      %sign3A_57 = arith.extui %sign3A_56 : i1 to i32
      %sign3A_58 = arith.subi %sign3A_54, %sign3A_57 : i32
      %ne3A = vector.broadcast %sign3A_58 : i32 to vector<26x416xi32>
      %ne3A_59 = arith.cmpi ne, %sign3A_51, %ne3A : vector<26x416xi32>
      %rem3A = vector.broadcast %jit3A : i32 to vector<26x416xi32>
      %rem3A_60 = arith.remsi %iota3A, %rem3A : vector<26x416xi32>
      %ne3A_61 = arith.constant 0 : i32
      %ne3A_62 = vector.broadcast %ne3A_61 : i32 to vector<26x416xi32>
      %ne3A_63 = arith.cmpi ne, %rem3A_60, %ne3A_62 : vector<26x416xi32>
      %and3A_64 = arith.andi %ne3A_59, %ne3A_63 : vector<26x416xi1>
      %sub3A_65 = arith.constant 1 : i32
      %sub3A_66 = vector.broadcast %sub3A_65 : i32 to vector<26x416xi32>
      %sub3A_67 = arith.subi %div3A_43, %sub3A_66 : vector<26x416xi32>
      %select_n3A = arith.select %and3A_64, %sub3A_67, %div3A_43 : vector<26x416xi1>, vector<26x416xi32>
      %iota3A_68 = tpu.iota {dimensions = array<i32: 0>} : vector<26x416xi32>
      %eq3A_69 = arith.cmpi eq, %select_n3A, %iota3A_68 : vector<26x416xi32>
      %convert_element_type3A_70 = arith.extui %eq3A_69 : vector<26x416xi1> to vector<26x416xi32>
      %convert_element_type3A_71 = arith.sitofp %convert_element_type3A_70 : vector<26x416xi32> to vector<26x416xf32>
      %mul3A_72 = vector.broadcast %div3A_41 : vector<26x1xf32> to vector<26x416xf32>
      %mul3A_73 = arith.mulf %convert_element_type3A_71, %mul3A_72 : vector<26x416xf32>
      %reduce_sum3A_74 = arith.constant dense<0.000000e+00> : vector<416xf32>
      %reduce_sum3A_75 = vector.multi_reduction <add>, %mul3A_73, %reduce_sum3A_74 [0] : vector<26x416xf32> to vector<416xf32>
      %broadcast_in_dim3A = vector.shape_cast %reduce_sum3A_75 : vector<416xf32> to vector<1x416xf32>
      %add3A = arith.constant 1.000000e-03 : f32
      %add3A_76 = vector.broadcast %add3A : f32 to vector<1x416xf32>
      %add3A_77 = arith.addf %sub3A, %add3A_76 : vector<1x416xf32>
      %rsqrt3A = math.rsqrt %add3A_77 : vector<1x416xf32>
      %mul3A_78 = arith.mulf %broadcast_in_dim3A, %rsqrt3A : vector<1x416xf32>
      %get3A_79 = arith.constant 0 : index
      %get3A_80 = arith.constant 0 : index
      %get3A_81 = vector.load %arg2[%get3A_79, %get3A_80] : memref<1024x416xf32, #tpu.memory_space<vmem>>, vector<1024x416xf32>
      %sub3A_82 = vector.broadcast %mul3A_17 : vector<1x416xf32> to vector<1024x416xf32>
      %sub3A_83 = arith.subf %get3A_81, %sub3A_82 : vector<1024x416xf32>
      %mul3A_84 = vector.broadcast %mul3A_78 : vector<1x416xf32> to vector<1024x416xf32>
      %mul3A_85 = arith.mulf %sub3A_83, %mul3A_84 : vector<1024x416xf32>
      %get3A_86 = arith.constant 0 : index
      %get3A_87 = arith.constant 0 : index
      %get3A_88 = vector.load %arg5[%get3A_86, %get3A_87] : memref<416x512xf32, #tpu.memory_space<vmem>>, vector<416x512xf32>
      %dot_general3A = arith.constant dense<0.000000e+00> : vector<1024x512xf32>
      %dot_general3A_89 = tpu.matmul %mul3A_85, %get3A_88, %dot_general3A {dimension_numbers = #tpu.dot_dimension_numbers<[1], [0], [0], [1], [0, 0, 1, 1], [], []>, precision = #tpu.contract_precision<fp32>, transpose_lhs_hint = false} : vector<1024x416xf32>, vector<416x512xf32>, vector<1024x512xf32> -> vector<1024x512xf32>
      %get3A_90 = arith.constant 0 : index
      %get3A_91 = arith.constant 0 : index
      %get3A_92 = vector.load %arg6[%get3A_90, %get3A_91] : memref<1x512xf32, #tpu.memory_space<vmem>>, vector<1x512xf32>
      %add3A_93 = vector.broadcast %get3A_92 : vector<1x512xf32> to vector<1024x512xf32>
      %add3A_94 = arith.addf %dot_general3A_89, %add3A_93 : vector<1024x512xf32>
      %max3A = arith.constant 0.000000e+00 : f32
      %max3A_95 = vector.broadcast %max3A : f32 to vector<1024x512xf32>
      %max3A_96 = arith.maximumf %add3A_94, %max3A_95 : vector<1024x512xf32>
      %get3A_97 = arith.constant 0 : index
      %get3A_98 = arith.constant 0 : index
      %get3A_99 = vector.load %arg7[%get3A_97, %get3A_98] : memref<512x256xf32, #tpu.memory_space<vmem>>, vector<512x256xf32>
      %dot_general3A_100 = arith.constant dense<0.000000e+00> : vector<1024x256xf32>
      %dot_general3A_101 = tpu.matmul %max3A_96, %get3A_99, %dot_general3A_100 {dimension_numbers = #tpu.dot_dimension_numbers<[1], [0], [0], [1], [0, 0, 1, 1], [], []>, precision = #tpu.contract_precision<fp32>, transpose_lhs_hint = false} : vector<1024x512xf32>, vector<512x256xf32>, vector<1024x256xf32> -> vector<1024x256xf32>
      %get3A_102 = arith.constant 0 : index
      %get3A_103 = arith.constant 0 : index
      %get3A_104 = vector.load %arg8[%get3A_102, %get3A_103] : memref<1x256xf32, #tpu.memory_space<vmem>>, vector<1x256xf32>
      %add3A_105 = vector.broadcast %get3A_104 : vector<1x256xf32> to vector<1024x256xf32>
      %add3A_106 = arith.addf %dot_general3A_101, %add3A_105 : vector<1024x256xf32>
      %max3A_107 = arith.constant 0.000000e+00 : f32
      %max3A_108 = vector.broadcast %max3A_107 : f32 to vector<1024x256xf32>
      %max3A_109 = arith.maximumf %add3A_106, %max3A_108 : vector<1024x256xf32>
      %get3A_110 = arith.constant 0 : index
      %get3A_111 = arith.constant 0 : index
      %get3A_112 = vector.load %arg9[%get3A_110, %get3A_111] : memref<256x1xf32, #tpu.memory_space<vmem>>, vector<256x1xf32>
      %dot_general3A_113 = arith.constant dense<0.000000e+00> : vector<1024x1xf32>
      %dot_general3A_114 = tpu.matmul %max3A_109, %get3A_112, %dot_general3A_113 {dimension_numbers = #tpu.dot_dimension_numbers<[1], [0], [0], [1], [0, 0, 1, 1], [], []>, precision = #tpu.contract_precision<fp32>, transpose_lhs_hint = false} : vector<1024x256xf32>, vector<256x1xf32>, vector<1024x1xf32> -> vector<1024x1xf32>
      %get3A_115 = arith.constant 0 : index
      %get3A_116 = arith.constant 0 : index
      %get3A_117 = vector.load %arg10[%get3A_115, %get3A_116] : memref<1x1xf32, #tpu.memory_space<vmem>>, vector<1x1xf32>
      %add3A_118 = vector.broadcast %get3A_117 : vector<1x1xf32> to vector<1024x1xf32>
      %add3A_119 = arith.addf %dot_general3A_114, %add3A_118 : vector<1024x1xf32>
      %get3A_120 = arith.constant 0 : index
      %get3A_121 = arith.constant 0 : index
      %get3A_122 = vector.load %arg3[%get3A_120, %get3A_121] : memref<1024x26xf32, #tpu.memory_space<vmem>>, vector<1024x26xf32>
      %reduce_sum3A_123 = arith.constant dense<0.000000e+00> : vector<1024xf32>
      %reduce_sum3A_124 = vector.multi_reduction <add>, %get3A_122, %reduce_sum3A_123 [1] : vector<1024x26xf32> to vector<1024xf32>
      %broadcast_in_dim3A_125 = vector.shape_cast %reduce_sum3A_124 : vector<1024xf32> to vector<1024x1xf32>
      %add3A_126 = arith.addf %add3A_119, %broadcast_in_dim3A_125 : vector<1024x1xf32>
      %neg3A = arith.constant 0.000000e+00 : f32
      %neg3A_127 = vector.broadcast %neg3A : f32 to vector<1024x1xf32>
      %neg3A_128 = arith.subf %neg3A_127, %add3A_126 : vector<1024x1xf32>
      %exp3A_129 = math.exp %neg3A_128 : vector<1024x1xf32>
      %add3A_130 = arith.constant 1.000000e+00 : f32
      %add3A_131 = vector.broadcast %add3A_130 : f32 to vector<1024x1xf32>
      %add3A_132 = arith.addf %add3A_131, %exp3A_129 : vector<1024x1xf32>
      %div3A_133 = arith.constant 1.000000e+00 : f32
      %div3A_134 = vector.broadcast %div3A_133 : f32 to vector<1024x1xf32>
      %div3A_135 = arith.divf %div3A_134, %add3A_132 : vector<1024x1xf32>
      %swap3A = arith.constant 0 : index
      %swap3A_136 = arith.constant 0 : index
      %swap3A_137 = vector.load %arg11[%swap3A, %swap3A_136] : memref<1024x1xf32, #tpu.memory_space<vmem>>, vector<1024x1xf32>
      tpu.vector_store %arg11[%swap3A, %swap3A_136], %div3A_135 {strides = array<i32>} : memref<1024x1xf32, #tpu.memory_space<vmem>>, vector<1024x1xf32>,
    } else {
    }
    return
  }
  func.func @transform_0(%arg0: i32, %arg1: i32) -> (i32, i32) {
    %c0_i32 = arith.constant 0 : i32
    %c0_i32_0 = arith.constant 0 : i32
    return %arg1, %c0_i32 : i32, i32
  }
  func.func @transform_1(%arg0: i32, %arg1: i32) -> (i32, i32) {
    %c0_i32 = arith.constant 0 : i32
    %c0_i32_0 = arith.constant 0 : i32
    return %arg1, %c0_i32 : i32, i32
  }
  func.func @transform_2(%arg0: i32, %arg1: i32) -> (i32, i32) {
    %c0_i32 = arith.constant 0 : i32
    %c0_i32_0 = arith.constant 0 : i32
    %c0_i32_1 = arith.constant 0 : i32
    return %c0_i32, %c0_i32_0 : i32, i32
  }
  func.func @transform_3(%arg0: i32, %arg1: i32) -> (i32, i32) {
    %c0_i32 = arith.constant 0 : i32
    %c0_i32_0 = arith.constant 0 : i32
    %c0_i32_1 = arith.constant 0 : i32
    return %c0_i32, %c0_i32_0 : i32, i32
  }
  func.func @transform_4(%arg0: i32, %arg1: i32) -> (i32, i32) {
    %c0_i32 = arith.constant 0 : i32
    %c0_i32_0 = arith.constant 0 : i32
    %c0_i32_1 = arith.constant 0 : i32
    return %c0_i32, %c0_i32_0 : i32, i32
  }
  func.func @transform_5(%arg0: i32, %arg1: i32) -> (i32, i32) {
    %c0_i32 = arith.constant 0 : i32
    %c0_i32_0 = arith.constant 0 : i32
    %c0_i32_1 = arith.constant 0 : i32
    return %c0_i32, %c0_i32_0 : i32, i32
  }
  func.func @transform_6(%arg0: i32, %arg1: i32) -> (i32, i32) {
    %c0_i32 = arith.constant 0 : i32
    %c0_i32_0 = arith.constant 0 : i32
    %c0_i32_1 = arith.constant 0 : i32
    return %c0_i32, %c0_i32_0 : i32, i32
  }
  func.func @transform_7(%arg0: i32, %arg1: i32) -> (i32, i32) {
    %c0_i32 = arith.constant 0 : i32
    %c0_i32_0 = arith.constant 0 : i32
    %c0_i32_1 = arith.constant 0 : i32
    return %c0_i32, %c0_i32_0 : i32, i32
  }
  func.func @transform_8(%arg0: i32, %arg1: i32) -> (i32, i32) {
    %c0_i32 = arith.constant 0 : i32
    %c0_i32_0 = arith.constant 0 : i32
    %c0_i32_1 = arith.constant 0 : i32
    return %c0_i32, %c0_i32_0 : i32, i32
  }
  func.func @transform_9(%arg0: i32, %arg1: i32) -> (i32, i32) {
    %c0_i32 = arith.constant 0 : i32
    %c0_i32_0 = arith.constant 0 : i32
    return %arg1, %c0_i32 : i32, i32
  }
}

</mosaic_0001>

<sc_bundles>
// kernel: kernel.4.cloned.1.call-start
scs
__scs_entry_jumppad:
0x0: {  	(pc) =	sbr.rel $0x88, $3  }
0x1: {  	(tag) =	ssettag $0x0;
	lr =	simm.s32 $0x1  }
0x2: {  	[smem:$0x3F97] =	sst lr;
	_ =	strace $0xD0000000  }
0x3: {  	_ = 	snop  }
0x4: {  	_ = 	snop  }
0x5: {  	_ = 	snop  }
0x6: {  	_ = 	snop  }
0x7: {  	_ = 	snop  }
__scs_overlays_trampoline_lowered:
0x8: {  	[smem:$0x3FA6] =	sst s0  }
0x9: {  	[smem:$0x3FA7] =	sst s1  }
0xa: {  	[smem:$0x3FA8] =	sst s2  }
0xb: {  	[smem:$0x3FA9] =	sst s3  }
0xc: {  	[smem:$0x3FAA] =	sst s4  }
0xd: {  	[smem:$0x3FAB] =	sst s5  }
0xe: {  	[smem:$0x3FAC] =	sst s6  }
0xf: {  	[smem:$0x3FAD] =	sst s7  }
0x10: {  	[smem:$0x3FAE] =	sst s8  }
0x11: {  	[smem:$0x3FAF] =	sst s9;
	s0 =	simm.s32 @!p0 $0x0  }
0x12: {  	s1 =	sld [smem:$0x3F95];
	s0 =	simm.s32 @p0 $0x1  }
0x13: {  	[smem:$0x3FB0] =	sst s0;
	s0 =	simm.s32 @!p1 $0x0  }
0x14: {  	s2 =	sld [smem:$0x3F94];
	s0 =	simm.s32 @p1 $0x1  }
0x15: {  	[smem:$0x3FB1] =	sst s0;
	s0 =	simm.s32 @!p2 $0x0  }
0x16: {  	s3 =	sld [smem:$0x3FDB];
	s0 =	simm.s32 @p2 $0x1  }
0x17: {  	s4 =	simm.s32 $0x1BF5;
	[smem:$0x3FB3] =	sst s0  }
0x18: {  	s0 =	sld [smem:$0x3F96];
	_ =	swait.ge [sflag:s4], $0x0  }
0x19: {  	s7 =	sld [smem:$0x3F97]  }
0x1a: {  	s8 =	sadd.s32 $0xFFFFE003, lr  }
0x1b: {  	s9 =	sadd.s32 $0xFFFFFEF7, lr;
	s5 =	simm.s32 $0xFFFFFFFF;
	p2 =	slt.u32 s8, $0xFFFFF086  }
0x1c: {  	p1 =	slt.u32 s9, $0xF7A;
	s5 =	simm.s32 @!p2 $0x0  }
0x1d: {  	s5 =	simm.s32 @p1 $0x1;
	p0 =	seq.s32 s7, s2  }
0x1e: {  	s7 =	smul.u32 @!p0 $0xF7A, s2;
	p2 =	seq.s32 @!p0 s5, $0x0  }
0x1f: {  	s9 =	smul.u32 $0xF7A, s1;
	s8 =	simm.s32 @!p0 $0x1BF5;
	p2 =	por !p2, p0  }
0x20: {  	[sflag:s8] =	ssyncset.s32 @!p0 $0xFFFFF086;
	s6 =	sadd.s32 @!p0 s3, s7;
	s7 =	simm.s32 @!p0 $0x108  }
0x21: {  	s3 =	sadd.s32 s3, s9;
	s6 =	sadd.s32 @!p0 $0x88, s6;
	s7 =	simm.s32 @p2 $0x1082  }
0x22: {  	[simem:s7], [sflag:s8] =	dma.local @!p0 [hbm:s6], $0xF7A  }
0x23: {  	s9 =	sor.u32 $0xD0000000, s2;
	s6 =	simm.s32 $0x108;
	_ =	swait.ge @!p0 [sflag:s8], $0x0  }
0x24: {  	s3 =	sadd.s32 $0x88, s3;
	s6 =	simm.s32 @!p1 $0x1082;
	[sflag:s4] =	ssyncset.s32 $0xFFFFF086  }
0x25: {  	[simem:s6], [sflag:s4] =	dma.local [hbm:s3], $0xF7A  }
0x26: {  	[smem:$0x3F97] =	sst s1;
	(tag) =	ssettag s2;
	_ =	strace s9  }
0x27: {  	s1 =	sld [smem:$0x3FA7]  }
0x28: {  	s2 =	sld [smem:$0x3FA8]  }
0x29: {  	s4 =	sld [smem:$0x3FAA]  }
0x2a: {  	p0 =	seq.s32 s5, $0x0;
	s5 =	sld [smem:$0x3FAB]  }
0x2b: {  	s6 =	sld [smem:$0x3FAC]  }
0x2c: {  	s7 =	sld [smem:$0x3FAD]  }
0x2d: {  	s3 =	simm.s32 $0x108;
	s8 =	sld [smem:$0x3FAE]  }
0x2e: {  	s3 =	simm.s32 @!p0 $0x1082;
	s9 =	sld [smem:$0x3FAF]  }
0x2f: {  	lr =	sadd.s32 s0, s3;
	s0 =	sld [smem:$0x3FA6]  }
0x30: {  	s3 =	sld [smem:$0x3FA9]  }
0x31: {  	[smem:$0x3FB2] =	sst s10  }
0x32: {  	s10 =	sld [smem:$0x3FB0];
	_ =	sdelay $0x3  }
0x33: {  	p0 =	seq.s32 s10, $0x1;
	s10 =	sld [smem:$0x3FB2];
	_ =	sdelay $0x3  }
0x34: {  	[smem:$0x3FB2] =	sst s10  }
0x35: {  	s10 =	sld [smem:$0x3FB1];
	_ =	sdelay $0x3  }
0x36: {  	p1 =	seq.s32 s10, $0x1;
	s10 =	sld [smem:$0x3FB2];
	_ =	sdelay $0x3  }
0x37: {  	[smem:$0x3FB2] =	sst s10  }
0x38: {  	s10 =	sld [smem:$0x3FB3]  }
0x39: {  	_ = 	snop;
	(pc) =	sbr.ind lr, $3  }
0x3a: {  	_ = 	snop  }
0x3b: {  	_ = 	snop  }
0x3c: {  	p2 =	seq.s32 s10, $0x1;
	s10 =	sld [smem:$0x3FB2]  }
0x3d: {  	_ =	shalt  }
0x3e: {  	_ =	shalt  }
0x3f: {  	_ =	shalt  }
0x40: {  	_ =	shalt  }
0x41: {  	_ =	shalt  }
0x42: {  	_ =	shalt  }
0x43: {  	_ =	shalt  }
0x44: {  	_ =	shalt  }
0x45: {  	_ =	shalt  }
0x46: {  	_ =	shalt  }
0x47: {  	_ =	shalt  }
0x48: {  	_ =	shalt  }
0x49: {  	_ =	shalt  }
0x4a: {  	_ =	shalt  }
0x4b: {  	_ =	shalt  }
0x4c: {  	_ =	shalt  }
0x4d: {  	_ =	shalt  }
0x4e: {  	_ =	shalt  }
0x4f: {  	_ =	shalt  }
0x50: {  	_ =	shalt  }
0x51: {  	_ =	shalt  }
0x52: {  	_ =	shalt  }
0x53: {  	_ =	shalt  }
0x54: {  	_ =	shalt  }
0x55: {  	_ =	shalt  }
0x56: {  	_ =	shalt  }
0x57: {  	_ =	shalt  }
0x58: {  	_ =	shalt  }
0x59: {  	_ =	shalt  }
0x5a: {  	_ =	shalt  }
0x5b: {  	_ =	shalt  }
0x5c: {  	_ =	shalt  }
0x5d: {  	_ =	shalt  }
0x5e: {  	_ =	shalt  }
0x5f: {  	_ =	shalt  }
0x60: {  	_ =	shalt  }
0x61: {  	_ =	shalt  }
0x62: {  	_ =	shalt  }
0x63: {  	_ =	shalt  }
0x64: {  	_ =	shalt  }
0x65: {  	_ =	shalt  }
0x66: {  	_ =	shalt  }
0x67: {  	_ =	shalt  }
0x68: {  	_ =	shalt  }
0x69: {  	_ =	shalt  }
0x6a: {  	_ =	shalt  }
0x6b: {  	_ =	shalt  }
0x6c: {  	_ =	shalt  }
0x6d: {  	_ =	shalt  }
0x6e: {  	_ =	shalt  }
0x6f: {  	_ =	shalt  }
0x70: {  	_ =	shalt  }
0x71: {  	_ =	shalt  }
0x72: {  	_ =	shalt  }
0x73: {  	_ =	shalt  }
0x74: {  	_ =	shalt  }
0x75: {  	_ =	shalt  }
0x76: {  	_ =	shalt  }
0x77: {  	_ =	shalt  }
0x78: {  	_ =	shalt  }
0x79: {  	_ =	shalt  }
0x7a: {  	_ =	shalt  }
0x7b: {  	_ =	shalt  }
0x7c: {  	_ =	shalt  }
0x7d: {  	_ =	shalt  }
0x7e: {  	_ =	shalt  }
0x7f: {  	_ =	shalt  }
0x80: {  	_ =	shalt  }
0x81: {  	_ =	shalt  }
0x82: {  	_ =	shalt  }
0x83: {  	_ =	shalt  }
0x84: {  	_ =	shalt  }
0x85: {  	_ =	shalt  }
0x86: {  	_ =	shalt  }
0x87: {  	_ =	shalt  }
.Lfunc_end0:
.L_simem_size_0:
called_computation_lowered:
.L_overlay_start_0:
0x88: {  	s2 =	sld [smem:$0x3FD9]  }
0x89: {  	s3 =	sld [smem:$0x3FFE];
	_ =	sdelay $0x1  }
0x8a: {  	s1 =	srdreg.scid  }
0x8b: {  	s0 =	sand.u32 $0x1, s1  }
0x8c: {  	s16 =	sshll.u32 s0, $0xA;
	s2 =	sadd.s32 s3, s2  }
0x8d: {  	s2 =	sadd.s32 s2, s16  }
0x8e: {  	[smem:$0x3FBE] =	sst s2  }
0x8f: {  	_ = 	snop  }
0x90: {  	(tm) =	ssettm $0x1  }
0x91: {  	s17 =	sld [smem:$0x3FFB];
	_ =	sdelay $0x3  }
0x92: {  	_ =	strace s17  }
0x93: {  	s2 =	sld [smem:$0x3FFC];
	_ =	sdelay $0x3  }
0x94: {  	_ =	strace s2  }
0x95: {  	s2 =	sld [smem:$0x3FFD];
	_ =	sdelay $0x3  }
0x96: {  	_ =	strace s2  }
0x97: {  	_ =	strace $0x8FFFFFFF  }
0x98: {  	s18 =	sld [smem:$0x3FDB];
	_ =	sdelay $0x1  }
0x99: {  	s19 =	simm.s32 $_scs_section_size  }
0x9a: {  	s4 =	simm.s32 $_size__tile_overlayer_lowered;
	s5 =	simm.s32 $_tile_overlayer_lowered  }
0x9b: {  	s22 =	simm.s32 $0x1BFF;
	s21 =	sshll.u32 s5, $0x1;
	s2 =	sadd.s32 s19, s18  }
0x9c: {  	s6 =	simm.s32 $0x0;
	s20 =	sshll.u32 s4, $0x1;
	s4 =	sadd.s32 s21, s2  }
0x9d: {  	[timem:s6], [sflag:s22] =	dma.local [hbm:s4], s20  }
0x9e: {  	_ =	swait.ge [sflag:s22], s20  }
0x9f: {  	s3 =	ssub.s32 $0x0, s20;
	[sflag:s22] =	ssyncset.done $0x0  }
0xa0: {  	[sflag:s22] =	ssyncadd.s32 s3;
	_ =	sdelay $0x1  }
0xa1: {  	s23 =	simm.s32 $0x1B8B  }
0xa2: {  	_ =	swait.ge [sflag:s23], $0x1  }
0xa3: {  	[sflag:s23] =	ssyncset.done $0x0  }
0xa4: {  	s25 =	simm.s32 $0x1B8E;
	s24 =	sld [smem:$0x3FFE];
	[sflag:s23] =	ssyncadd.s32 $0xFFFFFFFF  }
0xa5: {  	s26 =	simm.s32 $execute0_lowered;
	[smem:$0x3FD2] =	sst s25  }
0xa6: {  	s4 =	sshll.u32 s26, $0x1;
	_ =	strace $0x80000046;
	[dreg:$0x1] =	wrdreg $0xFFFFFFFF  }
0xa7: {  	s28 =	simm.s32 $_size_execute0_lowered;
	s2 =	sadd.s32 s2, s4;
	[dreg:$0x0] =	wrdreg $0x0  }
0xa8: {  	s4 =	sshll.u32 s28, $0x1;
	[dreg:$0x2] =	wrdreg s2  }
0xa9: {  	[dreg:$0x3] =	wrdreg s4  }
0xaa: {  	[dreg:$0x4] =	wrdreg $0xC0  }
0xab: {  	_ =	task [dreg:s6], $0x5FFFF  }
0xac: {  	[dreg:$0x1] =	wrdreg $0xFFFFFFFF  }
0xad: {  	[dreg:$0x0] =	wrdreg $0x60  }
0xae: {  	[dreg:$0x2] =	wrdreg s24  }
0xaf: {  	[dreg:$0x3] =	wrdreg $0x9  }
0xb0: {  	_ =	task.clear_ibuf [dreg:s6], $0x4FFFF;
	_ =	strace $0x90000046  }
0xb1: {  	s29 =	simm.s32 $0x9;
	_ =	strace $0x80000048  }
0xb2: {  	_ =	swait.ge [sflag:s29], $0x1  }
0xb3: {  	[sflag:s29] =	ssyncadd.s32 $0xFFFFFFFF  }
0xb4: {  	_ =	strace $0x90000048  }
0xb5: {  	_ =	sfence  }
0xb6: {  	s30 =	sld [smem:$0x0];
	_ =	sdelay $0x2  }
0xb7: {  	s31 =	sshll.u32 s1, $0xD;
	s1 =	sshrl.u32 s1, $0x2  }
0xb8: {  	s3 =	sand.u32 $0x4000, s31;
	s1 =	sadd.s32 s1, s30  }
0xb9: {  	s0 =	sor.u32 s3, s0;
	s1 =	sshll.u32 s1, $0x11  }
0xba: {  	s0 =	sor.u32 s1, s0  }
0xbb: {  	s0 =	sadd.s32 $0x8F2B, s0  }
0xbc: {  	[sflag:s0] =	ssyncadd.remote.s32 $0x1  }
0xbd: {  	_ =	sfence.sel $0xFFFF  }
0xbe: {  	[dreg:$0x0] =	wrdreg $0xFFFFFFFF;
	(pc) =	sbr.abs _section_cstart, $3  }
0xbf: {  	[dreg:$0x1] =	wrdreg $0xFFFFFFFF  }
0xc0: {  	_ =	task.clear_ibuf [dreg:s6], $0x2FFFF;
	_ =	strace $0x9FFFFFFF  }
0xc1: {  	(tm) =	ssettm $0x7FFFFFFF  }
tec
execute0_lowered:
.L_overlay_start_1:
0x0: {  	(tag) =	ssettag $0x1  }
0x1: {  	s0 =	rddreg [dreg:$0x0]  }
0x2: {  	s1 =	srdreg.scid;
	s3 =	stileid.u32  }
0x3: {  	s2 =	simm.s32 $0x0;
	s9 =	simm.s32 $0x80;
	s11 =	simm.s32 $0x3  }
0x4: {  	s13 =	simm.s32 $0x1C80;
	s14 =	simm.s32 $0xE00;
	s15 =	simm.s32 $0x2480  }
0x5: {  	s16 =	simm.s32 $0xE80;
	s17 =	simm.s32 $0x2C80;
	s18 =	simm.s32 $0xF00  }
0x6: {  	s19 =	simm.s32 $0x3480;
	s20 =	simm.s32 $0x1;
	s21 =	simm.s32 $0x2  }
0x7: {  	s22 =	simm.s32 $0x3C80;
	s23 =	simm.s32 $0x10C80;
	s24 =	simm.s32 $0x1DC80  }
0x8: {  	s1 =	sand.u32 $0x1, s1;
	s3 =	sshll.u32 s3, $0x1;
	[smem:$0x7FF] =	sst s2  }
0x9: {  	v1 =	vlaneseq.u32;
	s25 =	simm.s32 $0x0;
	s4 =	sor.u32 s1, s3;
	_ =	strace $0x80000047  }
0xa: {  	v0 =	vmul.u32 $0x10, v1;
	s1 =	ssub.s32 $0x2, s1;
	s3 =	sshll.u32 s4, $0x4;
	s5 =	smul.u32 $0x1A00, s4  }
0xb: {  	s7 =	smul.u32 $0x1A0, s4;
	s4 =	sadd.s32 $0x3E00, s0;
	s31 =	sshrl.u32 s1, $0x1  }
0xc: {  	v1 =	vmul.u32 $0x186A, v1;
	v2 =	vor.u32 $0x100, v0;
	v3 =	vor.u32 $0x200, v0;
	s6 =	sadd.s32 s3, s0;
	s3 =	sadd.s32 $0x53400, s0;
	s1 =	ssub.s32 s1, s31  }
0xd: {  	v4 =	vor.u32 $0x300, v0;
	v5 =	vor.u32 $0x400, v0;
	v6 =	vor.u32 $0x500, v0;
	s8 =	sadd.s32 s5, s0;
	s0 =	sadd.s32 s7, s0;
	s5 =	sadd.s32 $0xA00, s6  }
0xe: {  	v7 =	vor.u32 $0x600, v0;
	v8 =	vor.u32 $0x700, v0;
	s6 =	sadd.s32 $0x54C200, s8;
	s7 =	sadd.s32 $0x548E00, s0;
	s8 =	smax.u32 s1, $0x1  }
.LBB2_1:
0xf: {  	s0 =	simm.s32 $0x1000  }
0x10: {  	[tilespmem:s2], [sflag:$0x3] =	stream.strided.gather [hbm4b:s5+s9], $0xD00, s0, s9, $0x38;
	[tilespmem:$0x1E980] =	vst v63  }
0x11: {  	_ =	swait.ge [sflag:s11], $0xD00  }
0x12: {  	[sflag:s11] =	ssyncset.done $0x0  }
0x13: {  	s0 =	simm.s32 $0x0;
	[sflag:s11] =	ssyncadd.s32 $0xFFFFF300  }
0x14: {  	s1 =	simm.s32 $0x40;
	v9 =	vld [tilespmem:s0+$0x0]  }
.LBB2_2:
0x15: {  	p0 =	sne.s32 s1, $0x33C0  }
.Ltmp0:
0x16: {  	_ = 	snop;
	(pc) =	sbr.rel @p0 .LBB2_2-.Ltmp0, $3  }
0x17: {  	_ =	sdelay $0x1  }
0x18: {  	s26 =	sshra.s32 s1, $0x2;
	s1 =	sadd.s32 $0x40, s1;
	v10 =	vshrl.u32 v9, $0x4  }
0x19: {  	v9 =	vld [tilespmem:s26+$0x0];
	[tilespmem:s0+$0xF80] =	vst v10;
	s0 =	smov.u32 s26  }
0x1a: {  	_ =	sdelay $0x3  }
0x1b: {  	v9 =	vshrl.u32 v9, $0x4  }
0x1c: {  	s1 =	simm.s32 $0xF80;
	[tilespmem:s0+$0xF80] =	vst v9;
	s0 =	simm.s32 $0x3C80  }
0x1d: {  	[tilespmem:s0], [sflag:$0x2] =	stream.indirect.gather [hbm4b:s4+s9], $0x10, s1, s9, $0xb8;
	[tilespmem:$0x1E980] =	vst v63  }
0x1e: {  	s26 =	smov.u32 s4;
	s1 =	simm.s32 $0x200  }
.LBB2_4:
0x1f: {  	p0 =	sne.s32 s1, $0x3200  }
.Ltmp1:
0x20: {  	_ = 	snop;
	(pc) =	sbr.rel @p0 .LBB2_4-.Ltmp1, $4  }
0x21: {  	_ = 	snop  }
0x22: {  	s28 =	sshra.s32 s1, $0x2;
	s1 =	sadd.s32 $0x200, s1  }
0x23: {  	s0 =	sadd.s32 $0x800, s0;
	s26 =	sadd.s32 $0x30D4, s26;
	s28 =	sadd.s32 $0xF80, s28  }
0x24: {  	[tilespmem:s0], [sflag:$0x2] =	stream.indirect.gather [hbm4b:s26+s9], $0x10, s28, s9, $0xb8;
	[tilespmem:$0x1E980] =	vst v63  }
0x25: {  	v9 =	vld [tilespmem:$0x0];
	_ =	sdelay $0x4  }
0x26: {  	v9 =	vshrl.u32 v9, $0x4  }
0x27: {  	v10 =	vbroadcast v9, $0x0  }
0x28: {  	v11 =	vbroadcast v9, $0x1  }
0x29: {  	v12 =	vbroadcast v9, $0x2;
	v10 =	vadd.s32 v1, v10  }
0x2a: {  	[tilespmem:$0xD80] =	vst v10;
	v10 =	vadd.s32 v1, v11;
	v11 =	vbroadcast v9, $0x3  }
0x2b: {  	[tilespmem:$0xD90] =	vst v10;
	v10 =	vadd.s32 v1, v12;
	v12 =	vbroadcast v9, $0x4  }
0x2c: {  	[tilespmem:$0xDA0] =	vst v10;
	v10 =	vadd.s32 v1, v11;
	v11 =	vbroadcast v9, $0x5  }
0x2d: {  	[tilespmem:$0xDB0] =	vst v10;
	v10 =	vadd.s32 v1, v12;
	v12 =	vbroadcast v9, $0x6  }
0x2e: {  	v9 =	vbroadcast v9, $0x7;
	[tilespmem:$0xDC0] =	vst v10;
	v10 =	vadd.s32 v1, v11  }
0x2f: {  	[tilespmem:$0xDD0] =	vst v10;
	v10 =	vadd.s32 v1, v12  }
0x30: {  	v9 =	vadd.s32 v1, v9;
	[tilespmem:$0xDE0] =	vst v10  }
0x31: {  	s0 =	simm.s32 $0xD80;
	[tilespmem:$0xDF0] =	vst v9  }
0x32: {  	[tilespmem:s13], [sflag:$0x1] =	stream.indirect.gather [hbm4b:s3+s9], $0x10, s0, s9, $0xb8;
	[tilespmem:$0x1E980] =	vst v63  }
0x33: {  	v9 =	vld [tilespmem:$0x8];
	_ =	sdelay $0x4  }
0x34: {  	v9 =	vshrl.u32 v9, $0x4  }
0x35: {  	v10 =	vbroadcast v9, $0x0  }
0x36: {  	v11 =	vbroadcast v9, $0x1  }
0x37: {  	v12 =	vbroadcast v9, $0x2;
	v10 =	vadd.s32 v1, v10  }
0x38: {  	[tilespmem:$0xE00] =	vst v10;
	v10 =	vadd.s32 v1, v11;
	v11 =	vbroadcast v9, $0x3  }
0x39: {  	[tilespmem:$0xE10] =	vst v10;
	v10 =	vadd.s32 v1, v12;
	v12 =	vbroadcast v9, $0x4  }
0x3a: {  	[tilespmem:$0xE20] =	vst v10;
	v10 =	vadd.s32 v1, v11;
	v11 =	vbroadcast v9, $0x5  }
0x3b: {  	[tilespmem:$0xE30] =	vst v10;
	v10 =	vadd.s32 v1, v12;
	v12 =	vbroadcast v9, $0x6  }
0x3c: {  	v9 =	vbroadcast v9, $0x7;
	[tilespmem:$0xE40] =	vst v10;
	v10 =	vadd.s32 v1, v11  }
0x3d: {  	[tilespmem:$0xE50] =	vst v10;
	v10 =	vadd.s32 v1, v12  }
0x3e: {  	v9 =	vadd.s32 v1, v9;
	[tilespmem:$0xE60] =	vst v10  }
0x3f: {  	[tilespmem:$0xE70] =	vst v9  }
0x40: {  	[tilespmem:s15], [sflag:$0x1] =	stream.indirect.gather [hbm4b:s3+s9], $0x10, s14, s9, $0xb8;
	[tilespmem:$0x1E980] =	vst v63  }
0x41: {  	v9 =	vld [tilespmem:$0x10];
	_ =	sdelay $0x4  }
0x42: {  	v9 =	vshrl.u32 v9, $0x4  }
0x43: {  	v10 =	vbroadcast v9, $0x0  }
0x44: {  	v11 =	vbroadcast v9, $0x1  }
0x45: {  	v12 =	vbroadcast v9, $0x2;
	v10 =	vadd.s32 v1, v10  }
0x46: {  	[tilespmem:$0xE80] =	vst v10;
	v10 =	vadd.s32 v1, v11;
	v11 =	vbroadcast v9, $0x3  }
0x47: {  	[tilespmem:$0xE90] =	vst v10;
	v10 =	vadd.s32 v1, v12;
	v12 =	vbroadcast v9, $0x4  }
0x48: {  	[tilespmem:$0xEA0] =	vst v10;
	v10 =	vadd.s32 v1, v11;
	v11 =	vbroadcast v9, $0x5  }
0x49: {  	[tilespmem:$0xEB0] =	vst v10;
	v10 =	vadd.s32 v1, v12;
	v12 =	vbroadcast v9, $0x6  }
0x4a: {  	v9 =	vbroadcast v9, $0x7;
	[tilespmem:$0xEC0] =	vst v10;
	v10 =	vadd.s32 v1, v11  }
0x4b: {  	[tilespmem:$0xED0] =	vst v10;
	v10 =	vadd.s32 v1, v12  }
0x4c: {  	v9 =	vadd.s32 v1, v9;
	[tilespmem:$0xEE0] =	vst v10  }
0x4d: {  	[tilespmem:$0xEF0] =	vst v9  }
0x4e: {  	[tilespmem:s17], [sflag:$0x1] =	stream.indirect.gather [hbm4b:s3+s9], $0x10, s16, s9, $0xb8;
	[tilespmem:$0x1E980] =	vst v63  }
0x4f: {  	v9 =	vld [tilespmem:$0x18];
	_ =	sdelay $0x4  }
0x50: {  	v9 =	vshrl.u32 v9, $0x4  }
0x51: {  	v10 =	vbroadcast v9, $0x0  }
0x52: {  	v11 =	vbroadcast v9, $0x1  }
0x53: {  	v12 =	vbroadcast v9, $0x2;
	v10 =	vadd.s32 v1, v10  }
0x54: {  	[tilespmem:$0xF00] =	vst v10;
	v10 =	vadd.s32 v1, v11;
	v11 =	vbroadcast v9, $0x3  }
0x55: {  	[tilespmem:$0xF10] =	vst v10;
	v10 =	vadd.s32 v1, v12;
	v12 =	vbroadcast v9, $0x4  }
0x56: {  	[tilespmem:$0xF20] =	vst v10;
	v10 =	vadd.s32 v1, v11;
	v11 =	vbroadcast v9, $0x5  }
0x57: {  	[tilespmem:$0xF30] =	vst v10;
	v10 =	vadd.s32 v1, v12;
	v12 =	vbroadcast v9, $0x6  }
0x58: {  	v9 =	vbroadcast v9, $0x7;
	[tilespmem:$0xF40] =	vst v10;
	v10 =	vadd.s32 v1, v11  }
0x59: {  	[tilespmem:$0xF50] =	vst v10;
	v10 =	vadd.s32 v1, v12  }
0x5a: {  	v9 =	vadd.s32 v1, v9;
	[tilespmem:$0xF60] =	vst v10  }
0x5b: {  	[tilespmem:$0xF70] =	vst v9  }
0x5c: {  	[tilespmem:s19], [sflag:$0x1] =	stream.indirect.gather [hbm4b:s3+s9], $0x10, s18, s9, $0xb8;
	[tilespmem:$0x1E980] =	vst v63  }
0x5d: {  	_ =	swait.ge [sflag:s20], $0x800  }
0x5e: {  	s26 =	simm.s32 $0x0;
	[sflag:s20] =	ssyncset.done $0x0  }
0x5f: {  	s0 =	sand.u32 $0xFF8, s26;
	[sflag:s20] =	ssyncadd.s32 $0xFFFFF800  }
0x60: {  	v9 =	vld [tilespmem:s0+$0x0];
	_ =	sdelay $0x2  }
0x61: {  	s30 =	simm.s32 $0x0  }
0x62: {  	s0 =	sand.u32 $0x3, s30  }
0x63: {  	s1 =	sshll.u32 s0, $0xB;
	v9 =	vand.u32 $0xF, v9  }
0x64: {  	v10 =	vor.u32 s1, v9  }
0x65: {  	v10 =	vbroadcast v10, $0x0;
	_ =	sdelay $0x1  }
0x66: {  	v10 =	vor.u32 v0, v10;
	_ =	sdelay $0x2  }
0x67: {  	v11 =	vbroadcast v9, $0x1;
	_ =	sdelay $0x1  }
0x68: {  	v11 =	vor.u32 s1, v11;
	v10 =	vld.idx.msk [tilespmem:v10+s13+$0x0], $0xffff  }
0x69: {  	v11 =	vor.u32 v2, v11;
	_ =	sdelay $0x2  }
0x6a: {  	s26 =	simm.s32 $0x10CC0;
	v12 =	vbroadcast v9, $0x2  }
0x6b: {  	[tilespmem:s26+$0xFFFFFFC0] =	vst v10  }
0x6c: {  	v10 =	vor.u32 s1, v12;
	v11 =	vld.idx.msk [tilespmem:v11+s13+$0x0], $0xffff  }
0x6d: {  	v10 =	vor.u32 v3, v10;
	_ =	sdelay $0x2  }
0x6e: {  	v12 =	vbroadcast v9, $0x3  }
0x6f: {  	[tilespmem:s26+$0xFFFFFFD0] =	vst v11  }
0x70: {  	v11 =	vor.u32 s1, v12;
	v10 =	vld.idx.msk [tilespmem:v10+s13+$0x0], $0xffff  }
0x71: {  	v11 =	vor.u32 v4, v11;
	_ =	sdelay $0x2  }
0x72: {  	v12 =	vbroadcast v9, $0x4  }
0x73: {  	[tilespmem:s26+$0xFFFFFFE0] =	vst v10  }
0x74: {  	v10 =	vor.u32 s1, v12;
	v11 =	vld.idx.msk [tilespmem:v11+s13+$0x0], $0xffff  }
0x75: {  	v10 =	vor.u32 v5, v10;
	_ =	sdelay $0x2  }
0x76: {  	v12 =	vbroadcast v9, $0x5  }
0x77: {  	[tilespmem:s26+$0xFFFFFFF0] =	vst v11  }
0x78: {  	v11 =	vor.u32 s1, v12;
	v10 =	vld.idx.msk [tilespmem:v10+s13+$0x0], $0xffff  }
0x79: {  	v11 =	vor.u32 v6, v11;
	_ =	sdelay $0x2  }
0x7a: {  	v12 =	vbroadcast v9, $0x6  }
0x7b: {  	[tilespmem:s26+$0x0] =	vst v10  }
0x7c: {  	v10 =	vor.u32 s1, v12;
	v11 =	vld.idx.msk [tilespmem:v11+s13+$0x0], $0xffff  }
0x7d: {  	v10 =	vor.u32 v7, v10  }
0x7e: {  	v9 =	vbroadcast v9, $0x7;
	_ =	sdelay $0x1  }
0x7f: {  	v9 =	vor.u32 s1, v9  }
0x80: {  	v9 =	vbroadcast v9, $0x0;
	[tilespmem:s26+$0x10] =	vst v11  }
0x81: {  	v10 =	vld.idx.msk [tilespmem:v10+s13+$0x0], $0xffff  }
0x82: {  	v9 =	vor.u32 v8, v9;
	_ =	sdelay $0x3  }
0x83: {  	[tilespmem:s26+$0x20] =	vst v10  }
0x84: {  	v9 =	vld.idx.msk [tilespmem:v9+s13+$0x0], $0xffff;
	_ =	sdelay $0x1  }
0x85: {  	p1 =	por $0x0, $0x0  }
0x86: {  	s28 =	simm.s32 $0x20;
	s1 =	simm.s32 @!p1 $0x20  }
0x87: {  	s29 =	sand.u32 @!p1 $0x78, s28;
	s1 =	sand.u32 @!p1 $0x3FFFFF80, s1  }
0x88: {  	s1 =	sor.u32 @!p1 s29, s1;
	[tilespmem:s26+$0x30] =	vst v9  }
0x89: {  	v9 =	vld @!p1 [tilespmem:s1+$0x0];
	_ =	sdelay $0x2  }
0x8a: {  	s1 =	simm.s32 @!p1 $0x0  }
0x8b: {  	s1 =	smul.u32 @!p1 $0x186A0, s1  }
0x8c: {  	v9 =	vshrl.u32 @!p1 v9, $0x4  }
0x8d: {  	v11 =	vlaneseq.u32 @!p1;
	v10 =	vadd.s32 @!p1 s1, v9  }
0x8e: {  	v9 =	vmul.u32 @!p1 $0x186A, v11;
	v12 =	vbroadcast @!p1 v10, $0x0;
	v13 =	vbroadcast @!p1 v10, $0x7  }
0x8f: {  	v14 =	vbroadcast @!p1 v10, $0x2;
	v15 =	vbroadcast @!p1 v10, $0x3  }
0x90: {  	s31 =	sshll.u32 @!p1 s0, $0x7;
	s1 =	sshll.u32 @!p1 s0, $0xB;
	v11 =	vbroadcast @!p1 v10, $0x5;
	v12 =	vadd.s32 @!p1 v9, v12;
	v13 =	vadd.s32 @!p1 v9, v13  }
0x91: {  	s29 =	simm.s32 $0x5;
	s0 =	sadd.s32 @!p1 $0x1C80, s1;
	s1 =	sadd.s32 @!p1 $0xD80, s31;
	v14 =	vadd.s32 @!p1 v9, v14;
	[tilespmem:s31+$0xD80] =	vst @!p1 v12;
	v12 =	vadd.s32 @!p1 v9, v15;
	v15 =	vbroadcast @!p1 v10, $0x4  }
.LBB2_6:
0x92: {  	s28 =	sadd.s32 $0x8, s28  }
0x93: {  	v16 =	vbroadcast @!p1 v10, $0x1;
	v10 =	vbroadcast @!p1 v10, $0x6;
	[tilespmem:s31+$0xDF0] =	vst @!p1 v13;
	s26 =	sadd.s32 $0x80, s26;
	s30 =	smov.u32 s29;
	s29 =	sadd.s32 $0x1, s29  }
0x94: {  	v11 =	vadd.s32 @!p1 v9, v11;
	p0 =	sne.s32 s29, $0x1A4;
	[tilespmem:s31+$0xDA0] =	vst @!p1 v14;
	v13 =	vadd.s32 @!p1 v9, v15  }
0x95: {  	v14 =	vadd.s32 @!p1 v9, v16;
	[tilespmem:s31+$0xDC0] =	vst @!p1 v13;
	v9 =	vadd.s32 @!p1 v9, v10  }
0x96: {  	[tilespmem:s31+$0xDE0] =	vst @!p1 v9  }
0x97: {  	[tilespmem:s31+$0xDB0] =	vst @!p1 v12  }
0x98: {  	s10 =	simm.s32 @!p1 $0x80;
	[tilespmem:s31+$0xDD0] =	vst @!p1 v11  }
0x99: {  	[tilespmem:s31+$0xD90] =	vst @!p1 v14  }
0x9a: {  	[tilespmem:s0], [sflag:$0x1] =	stream.indirect.gather @!p1 [hbm4b:s3+s10], $0x10, s1, s10, $0xb8;
	[tilespmem:$0x1E980] =	vst v63  }
0x9b: {  	_ =	swait.ge [sflag:s20], $0x800  }
0x9c: {  	s0 =	sadd.s32 $0xFFFFFFE0, s28;
	[sflag:s20] =	ssyncset.done $0x0  }
0x9d: {  	s0 =	sand.u32 $0xFF8, s0;
	[sflag:s20] =	ssyncadd.s32 $0xFFFFF800  }
0x9e: {  	v9 =	vld [tilespmem:s0+$0x0];
	_ =	sdelay $0x2  }
0x9f: {  	s0 =	sadd.s32 $0xFFFFFFFC, s30  }
0xa0: {  	s31 =	sand.u32 $0x3, s0  }
0xa1: {  	s1 =	sshll.u32 s31, $0xB;
	v9 =	vand.u32 $0xF, v9  }
0xa2: {  	v10 =	vor.u32 s1, v9;
	v11 =	vbroadcast v9, $0x1;
	v12 =	vbroadcast v9, $0x2  }
0xa3: {  	v13 =	vbroadcast v9, $0x3;
	v10 =	vbroadcast v10, $0x0  }
0xa4: {  	v14 =	vbroadcast v9, $0x4;
	v11 =	vor.u32 s1, v11;
	v12 =	vor.u32 s1, v12  }
0xa5: {  	v15 =	vbroadcast v9, $0x5;
	v13 =	vor.u32 s1, v13;
	v10 =	vor.u32 v0, v10  }
0xa6: {  	v16 =	vbroadcast v9, $0x6;
	v9 =	vbroadcast v9, $0x7;
	v14 =	vor.u32 s1, v14  }
0xa7: {  	v15 =	vor.u32 s1, v15  }
0xa8: {  	v16 =	vor.u32 s1, v16;
	v9 =	vor.u32 s1, v9  }
0xa9: {  	v9 =	vbroadcast v9, $0x0  }
0xaa: {  	v10 =	vld.idx.msk [tilespmem:v10+s13+$0x0], $0xffff;
	_ =	sdelay $0x1  }
0xab: {  	v11 =	vor.u32 v2, v11;
	_ =	sdelay $0x3  }
0xac: {  	[tilespmem:s26+$0xFFFFFFC0] =	vst v10  }
0xad: {  	v10 =	vld.idx.msk [tilespmem:v11+s13+$0x0], $0xffff;
	_ =	sdelay $0x1  }
0xae: {  	v11 =	vor.u32 v3, v12;
	_ =	sdelay $0x3  }
0xaf: {  	[tilespmem:s26+$0xFFFFFFD0] =	vst v10  }
0xb0: {  	v10 =	vld.idx.msk [tilespmem:v11+s13+$0x0], $0xffff;
	_ =	sdelay $0x1  }
0xb1: {  	v11 =	vor.u32 v4, v13;
	_ =	sdelay $0x3  }
0xb2: {  	[tilespmem:s26+$0xFFFFFFE0] =	vst v10  }
0xb3: {  	v10 =	vld.idx.msk [tilespmem:v11+s13+$0x0], $0xffff;
	_ =	sdelay $0x1  }
0xb4: {  	v11 =	vor.u32 v5, v14;
	_ =	sdelay $0x3  }
0xb5: {  	[tilespmem:s26+$0xFFFFFFF0] =	vst v10  }
0xb6: {  	v10 =	vld.idx.msk [tilespmem:v11+s13+$0x0], $0xffff;
	_ =	sdelay $0x1  }
0xb7: {  	v11 =	vor.u32 v6, v15;
	_ =	sdelay $0x3  }
0xb8: {  	[tilespmem:s26+$0x0] =	vst v10  }
0xb9: {  	v10 =	vld.idx.msk [tilespmem:v11+s13+$0x0], $0xffff;
	_ =	sdelay $0x1  }
0xba: {  	v11 =	vor.u32 v7, v16;
	_ =	sdelay $0x3  }
0xbb: {  	[tilespmem:s26+$0x10] =	vst v10  }
0xbc: {  	v10 =	vld.idx.msk [tilespmem:v11+s13+$0x0], $0xffff;
	_ =	sdelay $0x1  }
0xbd: {  	v9 =	vor.u32 v8, v9;
	_ =	sdelay $0x3  }
0xbe: {  	[tilespmem:s26+$0x20] =	vst v10  }
0xbf: {  	v9 =	vld.idx.msk [tilespmem:v9+s13+$0x0], $0xffff;
	_ =	sdelay $0x2  }
0xc0: {  	p1 =	sgt.u32 s0, $0x19B  }
0xc1: {  	s0 =	sshrl.u32 @!p1 s30, $0x4;
	s10 =	sshll.u32 @!p1 s31, $0xB;
	s1 =	sshll.u32 @!p1 s30, $0x3;
	v11 =	vlaneseq.u32 @!p1  }
0xc2: {  	s12 =	smul.u32 @!p1 $0x186A0, s0;
	s30 =	sand.u32 @!p1 $0x78, s28;
	s1 =	sand.u32 @!p1 $0x3FFFFF80, s1  }
0xc3: {  	s0 =	sadd.s32 @!p1 $0x1C80, s10;
	s1 =	sor.u32 @!p1 s30, s1;
	[tilespmem:s26+$0x30] =	vst v9  }
0xc4: {  	v9 =	vld @!p1 [tilespmem:s1+$0x0];
	_ =	sdelay $0x4  }
0xc5: {  	v9 =	vshrl.u32 @!p1 v9, $0x4  }
.Ltmp2:
0xc6: {  	v10 =	vadd.s32 @!p1 s12, v9;
	(pc) =	sbr.rel @p0 .LBB2_6-.Ltmp2, $4  }
0xc7: {  	v9 =	vmul.u32 @!p1 $0x186A, v11;
	v12 =	vbroadcast @!p1 v10, $0x0;
	v13 =	vbroadcast @!p1 v10, $0x7  }
0xc8: {  	v14 =	vbroadcast @!p1 v10, $0x2;
	v15 =	vbroadcast @!p1 v10, $0x3  }
0xc9: {  	s31 =	sshll.u32 @!p1 s31, $0x7;
	v11 =	vbroadcast @!p1 v10, $0x5;
	v12 =	vadd.s32 @!p1 v9, v12;
	v13 =	vadd.s32 @!p1 v9, v13  }
0xca: {  	s1 =	sadd.s32 @!p1 $0xD80, s31;
	v14 =	vadd.s32 @!p1 v9, v14;
	[tilespmem:s31+$0xD80] =	vst @!p1 v12;
	v12 =	vadd.s32 @!p1 v9, v15;
	v15 =	vbroadcast @!p1 v10, $0x4  }
0xcb: {  	[tilespmem:s31+$0xDF0] =	vst @!p1 v13  }
0xcc: {  	[tilespmem:s31+$0xDA0] =	vst @!p1 v14  }
0xcd: {  	v16 =	vbroadcast @!p1 v10, $0x6;
	v11 =	vadd.s32 @!p1 v9, v11;
	[tilespmem:s31+$0xDB0] =	vst @!p1 v12  }
0xce: {  	v10 =	vbroadcast @!p1 v10, $0x1;
	v13 =	vadd.s32 @!p1 v9, v15;
	[tilespmem:s31+$0xDD0] =	vst @!p1 v11  }
0xcf: {  	[tilespmem:s31+$0xDC0] =	vst @!p1 v13;
	v13 =	vadd.s32 @!p1 v9, v16  }
0xd0: {  	v9 =	vadd.s32 @!p1 v9, v10;
	[tilespmem:s31+$0xDE0] =	vst @!p1 v13  }
0xd1: {  	s10 =	simm.s32 @!p1 $0x80;
	[tilespmem:s31+$0xD90] =	vst @!p1 v9  }
0xd2: {  	[tilespmem:s0], [sflag:$0x1] =	stream.indirect.gather @!p1 [hbm4b:s3+s10], $0x10, s1, s10, $0xb8;
	[tilespmem:$0x1E980] =	vst v63  }
0xd3: {  	_ =	swait.ge [sflag:s21], $0x800  }
0xd4: {  	[sflag:s21] =	ssyncset.done $0x0  }
0xd5: {  	[sflag:s21] =	ssyncadd.s32 $0xFFFFF800  }
0xd6: {  	_ =	swait.ge [sflag:s21], $0x800  }
0xd7: {  	[sflag:s21] =	ssyncset.done $0x0  }
0xd8: {  	[sflag:s21] =	ssyncadd.s32 $0xFFFFF800  }
0xd9: {  	_ =	swait.ge [sflag:s21], $0x800  }
0xda: {  	[sflag:s21] =	ssyncset.done $0x0  }
0xdb: {  	[sflag:s21] =	ssyncadd.s32 $0xFFFFF800  }
0xdc: {  	_ =	swait.ge [sflag:s21], $0x800  }
0xdd: {  	[sflag:s21] =	ssyncset.done $0x0  }
0xde: {  	[sflag:s21] =	ssyncadd.s32 $0xFFFFF800  }
0xdf: {  	_ =	swait.ge [sflag:s21], $0x800  }
0xe0: {  	[sflag:s21] =	ssyncset.done $0x0  }
0xe1: {  	[sflag:s21] =	ssyncadd.s32 $0xFFFFF800  }
0xe2: {  	_ =	swait.ge [sflag:s21], $0x800  }
0xe3: {  	[sflag:s21] =	ssyncset.done $0x0  }
0xe4: {  	[sflag:s21] =	ssyncadd.s32 $0xFFFFF800  }
0xe5: {  	_ =	swait.ge [sflag:s21], $0x800  }
0xe6: {  	[sflag:s21] =	ssyncset.done $0x0  }
0xe7: {  	[sflag:s21] =	ssyncadd.s32 $0xFFFFF800  }
0xe8: {  	_ =	swait.ge [sflag:s21], $0x800  }
0xe9: {  	[sflag:s21] =	ssyncset.done $0x0  }
0xea: {  	[sflag:s21] =	ssyncadd.s32 $0xFFFFF800  }
0xeb: {  	_ =	swait.ge [sflag:s21], $0x800  }
0xec: {  	[sflag:s21] =	ssyncset.done $0x0  }
0xed: {  	[sflag:s21] =	ssyncadd.s32 $0xFFFFF800  }
0xee: {  	_ =	swait.ge [sflag:s21], $0x800  }
0xef: {  	[sflag:s21] =	ssyncset.done $0x0  }
0xf0: {  	[sflag:s21] =	ssyncadd.s32 $0xFFFFF800  }
0xf1: {  	_ =	swait.ge [sflag:s21], $0x800  }
0xf2: {  	[sflag:s21] =	ssyncset.done $0x0  }
0xf3: {  	[sflag:s21] =	ssyncadd.s32 $0xFFFFF800  }
0xf4: {  	_ =	swait.ge [sflag:s21], $0x800  }
0xf5: {  	[sflag:s21] =	ssyncset.done $0x0  }
0xf6: {  	[sflag:s21] =	ssyncadd.s32 $0xFFFFF800  }
0xf7: {  	_ =	swait.ge [sflag:s21], $0x800  }
0xf8: {  	[sflag:s21] =	ssyncset.done $0x0  }
0xf9: {  	[sflag:s21] =	ssyncadd.s32 $0xFFFFF800  }
0xfa: {  	_ =	swait.ge [sflag:s21], $0x800  }
0xfb: {  	[sflag:s21] =	ssyncset.done $0x0  }
0xfc: {  	[sflag:s21] =	ssyncadd.s32 $0xFFFFF800  }
0xfd: {  	_ =	swait.ge [sflag:s21], $0x800  }
0xfe: {  	[sflag:s21] =	ssyncset.done $0x0  }
0xff: {  	[sflag:s21] =	ssyncadd.s32 $0xFFFFF800  }
0x100: {  	_ =	swait.ge [sflag:s21], $0x800  }
0x101: {  	[sflag:s21] =	ssyncset.done $0x0  }
0x102: {  	[sflag:s21] =	ssyncadd.s32 $0xFFFFF800  }
0x103: {  	_ =	swait.ge [sflag:s21], $0x800  }
0x104: {  	[sflag:s21] =	ssyncset.done $0x0  }
0x105: {  	[sflag:s21] =	ssyncadd.s32 $0xFFFFF800  }
0x106: {  	_ =	swait.ge [sflag:s21], $0x800  }
0x107: {  	[sflag:s21] =	ssyncset.done $0x0  }
0x108: {  	[sflag:s21] =	ssyncadd.s32 $0xFFFFF800  }
0x109: {  	_ =	swait.ge [sflag:s21], $0x800  }
0x10a: {  	[sflag:s21] =	ssyncset.done $0x0  }
0x10b: {  	[sflag:s21] =	ssyncadd.s32 $0xFFFFF800  }
0x10c: {  	_ =	swait.ge [sflag:s21], $0x800  }
0x10d: {  	[sflag:s21] =	ssyncset.done $0x0  }
0x10e: {  	[sflag:s21] =	ssyncadd.s32 $0xFFFFF800  }
0x10f: {  	_ =	swait.ge [sflag:s21], $0x800  }
0x110: {  	[sflag:s21] =	ssyncset.done $0x0  }
0x111: {  	[sflag:s21] =	ssyncadd.s32 $0xFFFFF800  }
0x112: {  	_ =	swait.ge [sflag:s21], $0x800  }
0x113: {  	[sflag:s21] =	ssyncset.done $0x0  }
0x114: {  	[sflag:s21] =	ssyncadd.s32 $0xFFFFF800  }
0x115: {  	_ =	swait.ge [sflag:s21], $0x800  }
0x116: {  	[sflag:s21] =	ssyncset.done $0x0  }
0x117: {  	[sflag:s21] =	ssyncadd.s32 $0xFFFFF800  }
0x118: {  	_ =	swait.ge [sflag:s21], $0x800  }
0x119: {  	[sflag:s21] =	ssyncset.done $0x0  }
0x11a: {  	[sflag:s21] =	ssyncadd.s32 $0xFFFFF800  }
0x11b: {  	_ =	swait.ge [sflag:s21], $0x800  }
0x11c: {  	[sflag:s21] =	ssyncset.done $0x0  }
0x11d: {  	[sflag:s21] =	ssyncadd.s32 $0xFFFFF800  }
0x11e: {  	s26 =	simm.s32 $0x0;
	_ =	swait.ge [sflag:s21], $0x800  }
0x11f: {  	s31 =	sand.u32 $0x70, s26;
	s10 =	simm.s32 $0x0;
	[sflag:s21] =	ssyncset.done $0x0  }
0x120: {  	s0 =	sor.u32 s31, s10;
	[sflag:s21] =	ssyncadd.s32 $0xFFFFF800  }
0x121: {  	v9 =	vld [tilespmem:s0+$0x0];
	_ =	sdelay $0x1  }
0x122: {  	v10 =	vmov s31  }
0x123: {  	v10 =	vshll.u32 v10, $0x4  }
0x124: {  	s12 =	simm.s32 $0x0;
	s26 =	simm.s32 $0x10;
	v10 =	vor.u32 v0, v10  }
0x125: {  	s1 =	sand.u32 $0x70, s26;
	s31 =	simm.s32 $0x0;
	v10 =	vor.u32 s12, v10;
	v9 =	vand.u32 $0xF, v9  }
0x126: {  	s26 =	sor.u32 s1, s31;
	v10 =	vor.u32 v10, v9  }
0x127: {  	v9 =	vld [tilespmem:s26+$0x0];
	_ =	sdelay $0x1  }
0x128: {  	v11 =	vmov s1  }
0x129: {  	s28 =	simm.s32 $0x20;
	v11 =	vshll.u32 v11, $0x4  }
0x12a: {  	s29 =	simm.s32 $0x3;
	s30 =	simm.s32 $0x0;
	s1 =	simm.s32 $0x0;
	v11 =	vor.u32 v0, v11;
	v10 =	vld.idx.msk [tilespmem:v10+s22+$0x0], $0xffff  }
.LBB2_8:
0x12b: {  	p0 =	sne.s32 s29, $0xCF;
	s10 =	sand.u32 $0x70, s28;
	s12 =	sshll.u32 s1, $0x7;
	v11 =	vor.u32 s30, v11;
	v9 =	vand.u32 $0xF, v9  }
0x12c: {  	s12 =	sor.u32 s10, s12;
	v12 =	vor.u32 v11, v9  }
.Ltmp3:
0x12d: {  	v9 =	vld [tilespmem:s12+$0x0];
	(pc) =	sbr.rel @p0 .LBB2_8-.Ltmp3, $4  }
0x12e: {  	_ = 	snop  }
0x12f: {  	v11 =	vmov s10  }
0x130: {  	s28 =	sadd.s32 $0x10, s28;
	v11 =	vshll.u32 v11, $0x4;
	[tilespmem:s0+$0x1DC80] =	vst v10;
	s0 =	smov.u32 s26;
	s26 =	smov.u32 s12  }
0x131: {  	s30 =	sshll.u32 s1, $0xB;
	s1 =	sshrl.u32 s29, $0x3;
	s29 =	sadd.s32 $0x1, s29;
	v11 =	vor.u32 v0, v11;
	v10 =	vld.idx.msk [tilespmem:v12+s22+$0x0], $0xffff  }
0x132: {  	s10 =	sand.u32 $0x70, s28;
	s12 =	sshll.u32 s1, $0x7  }
0x133: {  	v11 =	vor.u32 s30, v11;
	v9 =	vand.u32 $0xF, v9;
	s12 =	sor.u32 s10, s12  }
0x134: {  	v9 =	vor.u32 v11, v9;
	v11 =	vld [tilespmem:s12+$0x0];
	_ =	sdelay $0x1  }
0x135: {  	v12 =	vmov s10  }
0x136: {  	v12 =	vshll.u32 v12, $0x4  }
0x137: {  	s31 =	sshll.u32 s1, $0xB;
	[tilespmem:s0+$0x1DC80] =	vst v10;
	v10 =	vor.u32 v0, v12  }
0x138: {  	v10 =	vor.u32 s31, v10;
	v9 =	vld.idx.msk [tilespmem:v9+s22+$0x0], $0xffff;
	v11 =	vand.u32 $0xF, v11  }
0x139: {  	v10 =	vor.u32 v10, v11;
	_ =	sdelay $0x3  }
0x13a: {  	[tilespmem:s26+$0x1DC80] =	vst v9  }
0x13b: {  	v9 =	vld.idx.msk [tilespmem:v10+s22+$0x0], $0xffff;
	_ =	sdelay $0x4  }
0x13c: {  	[tilespmem:s12+$0x1DC80] =	vst v9  }
0x13d: {  	[hbm4b:s6+s2] =	stream.linear.scatter [tilespmem:s23], [sflag:$0x3], $0xD000, $0x38;
	[tilespmem:$0x1E980] =	vst v63  }
0x13e: {  	s25 =	sadd.s32 $0x1, s25;
	_ =	swait.ge [sflag:s11], $0xD000  }
0x13f: {  	p0 =	sne.s32 s25, s8;
	[sflag:s11] =	ssyncset.done $0x0  }
.Ltmp4:
0x140: {  	[sflag:s11] =	ssyncadd.s32 $0xFFFF3000;
	(pc) =	sbr.rel @p0 .LBB2_1-.Ltmp4, $4  }
0x141: {  	[hbm4b:s7+s2] =	stream.linear.scatter [tilespmem:s24], [sflag:$0x3], $0xD00, $0x38;
	[tilespmem:$0x1E980] =	vst v63  }
0x142: {  	_ =	swait.ge [sflag:s11], $0xD00  }
0x143: {  	[sflag:s11] =	ssyncset.done $0x0  }
0x144: {  	[sflag:s11] =	ssyncadd.s32 $0xFFFFF300  }
0x145: {  	_ =	sfence.sel $0x180000  }
0x146: {  	[bflag:$0x0] =	sbarrier.arrive $0xFFFF  }
0x147: {  	_ =	strace $0x90000047  }
0x148: {  	s0 =	stileid.u32;
	[bflag:$0x2] =	sbarrier.arrive $0xFFFF  }
0x149: {  	p0 =	sne.s32 s0, $0x0;
	s0 =	rddreg [dreg:$0x1]  }
0x14a: {  	s0 =	sadd.s32 @!p0 $0x100000, s0  }
0x14b: {  	[sflag:s0] =	ssyncadd.tile.s32 @!p0 $0x1;
	_ =	shalt  }
.Lfunc_end2:
_tile_overlayer_lowered:
.L_overlay_start_2:
0x14c: {  	(tag) =	ssettag $0x2  }
0x14d: {  	s0 =	rddreg [dreg:$0x0];
	s2 =	stileid.u32  }
0x14e: {  	s1 =	rddreg [dreg:$0x1];
	p0 =	sne.s32 s2, $0x0  }
0x14f: {  	s3 =	rddreg [dreg:$0x2];
	[bflag:$0x3] =	sbarrier.arrive $0xFFFF;
	s2 =	simm.s32 @!p0 $0x1C03  }
0x150: {  	[timem:s3], [sflag:s2] =	dma.local @!p0 [hbm:s0], s1  }
0x151: {  	s0 =	simm.s32 @!p0 $0x3  }
0x152: {  	_ =	swait.ge @!p0 [sflag:s0], s1  }
0x153: {  	s1 =	ssub.s32 @!p0 $0x0, s1;
	[sflag:s0] =	ssyncset.done @!p0 $0x0  }
0x154: {  	[sflag:s0] =	ssyncadd.s32 @!p0 s1  }
0x155: {  	[bflag:$0x3] =	sbarrier.arrive $0xFFFF  }
0x156: {  	_ =	shalt  }

</sc_bundles>
